<compile_context>
chip_gen: v7x
topology: tpu7x:2x2x1
jax: 0.10.2.dev20260603
libtpu: 0.0.44.dev20260713+nightly
codegen_flags: <defaults>
</compile_context>

<pallas_src>
import math

import jax
import jax.numpy as jnp
import numpy as np
from jax import lax
from jax.experimental import pallas as pl
from jax.experimental.pallas import tpu as pltpu
from jax.experimental.pallas import tpu_sc as plsc

VOCAB_SIZE = 1000000
DIM = 64
MAX_SEQ_LEN = 200
BATCH = 1024
SEQ_LEN = 200

_NC = 2
_NS = 16
_NW = _NC * _NS
_NBB = BATCH // 128
_NLG = _NW // _NBB
_LPG = SEQ_LEN // _NLG
_BCH = 128 // 16


def _position_encoding() -> np.ndarray:
    i = np.arange(MAX_SEQ_LEN, dtype=np.float64)[:, None]
    j = np.arange(DIM, dtype=np.float64)[None, :]
    even_mask = (np.arange(DIM) % 2 == 0)[None, :]
    temp_even = np.exp(-(j / DIM) * math.log(10000.0))
    temp_odd = np.exp(-((j - 1.0) / DIM) * math.log(10000.0))
    pe = np.where(even_mask, np.sin(i * temp_even), np.cos(i * temp_odd))
    return pe[:SEQ_LEN].astype(np.float32)


def _body(xt2_hbm, xtp_hbm, pes_hbm, t2_hbm, out_hbm,
          idx_v, par_v, pes_v, g0, g1, o0, o1, psem, gs0, gs1, ws0, ws1):
    c = lax.axis_index("c")
    s = lax.axis_index("s")
    wid = s * _NC + c
    bb = wid % _NBB
    lg = wid // _NBB
    col = bb * 128

    cp0 = pltpu.async_copy(xt2_hbm.at[lg, :, pl.ds(col, 128)], idx_v, psem)
    cp1 = pltpu.async_copy(xtp_hbm.at[lg, :, pl.ds(col, 128)], par_v, psem)
    cp2 = pltpu.async_copy(pes_hbm.at[lg], pes_v, psem)
    cp0.wait()
    cp1.wait()
    cp2.wait()

    def fire_gather(t, buf, sem):
        return pltpu.async_copy(t2_hbm.at[idx_v.at[t]], buf, sem)

    def wait_gather(buf, sem):
        pltpu.make_async_copy(t2_hbm.at[idx_v.at[0]], buf, sem).wait()

    def wait_wb(obuf, sem):
        pltpu.make_async_copy(obuf, out_hbm.at[0, :, pl.ds(col, 128)],
                              sem).wait()

    def compose(t, g, o):
        iota = lax.iota(jnp.int32, 16)
        rows = [iota + (16 * b) for b in range(_BCH)]
        pars = [par_v[t, pl.ds(16 * b, 16)] for b in range(_BCH)]

        @plsc.parallel_loop(0, DIM, unroll=4)
        def _(d):
            pv = pes_v[t, pl.ds(d * 16, 16)]
            for b in range(_BCH):
                vals = plsc.load_gather(g, [rows[b], pars[b] + d])
                o[d, pl.ds(16 * b, 16)] = vals + pv

    def fire_wb(t, obuf, sem):
        return pltpu.async_copy(
            obuf, out_hbm.at[lg * _LPG + t, :, pl.ds(col, 128)], sem)

    fire_gather(0, g0, gs0)
    fire_gather(1, g1, gs1)

    def step(i, carry):
        a = 2 * i
        bt = a + 1
        wait_gather(g0, gs0)

        @pl.when(i > 0)
        def _():
            wait_wb(o0, ws0)

        compose(a, g0, o0)

        @pl.when(i < _LPG // 2 - 1)
        def _():
            fire_gather(a + 2, g0, gs0)

        fire_wb(a, o0, ws0)

        wait_gather(g1, gs1)

        @pl.when(i > 0)
        def _():
            wait_wb(o1, ws1)

        compose(bt, g1, o1)

        @pl.when(i < _LPG // 2 - 1)
        def _():
            fire_gather(bt + 2, g1, gs1)

        fire_wb(bt, o1, ws1)
        return carry

    lax.fori_loop(0, _LPG // 2, step, 0)
    wait_wb(o0, ws0)
    wait_wb(o1, ws1)


def kernel(x, table):
    pe = _position_encoding()
    pes = np.broadcast_to(pe[:, :, None], (SEQ_LEN, DIM, 16))
    pes = jnp.asarray(
        pes.reshape(_NLG, _LPG, DIM * 16), dtype=jnp.float32)
    xt2 = ((x >> 1).T).reshape(_NLG, _LPG, BATCH)
    xtp = (((x & 1) << 6).T).reshape(_NLG, _LPG, BATCH)
    t2 = table.reshape(VOCAB_SIZE // 2, 128)
    mesh = plsc.VectorSubcoreMesh(core_axis_name="c", subcore_axis_name="s")
    out3 = pl.kernel(
        _body,
        out_type=jax.ShapeDtypeStruct((SEQ_LEN, DIM, BATCH), jnp.float32),
        mesh=mesh,
        scratch_types=[
            pltpu.VMEM((_LPG, 128), jnp.int32),
            pltpu.VMEM((_LPG, 128), jnp.int32),
            pltpu.VMEM((_LPG, DIM * 16), jnp.float32),
            pltpu.VMEM((128, 128), jnp.float32),
            pltpu.VMEM((128, 128), jnp.float32),
            pltpu.VMEM((DIM, 128), jnp.float32),
            pltpu.VMEM((DIM, 128), jnp.float32),
            pltpu.SemaphoreType.DMA,
            pltpu.SemaphoreType.DMA,
            pltpu.SemaphoreType.DMA,
            pltpu.SemaphoreType.DMA,
            pltpu.SemaphoreType.DMA,
        ],
        compiler_params=pltpu.CompilerParams(needs_layout_passes=False),
    )(xt2, xtp, pes, t2)
    return out3.transpose(2, 0, 1)

# --- scband reference (transcript-rebuilt; emitter-appended) ---
"""Pipeline reference for scband-embedding-with-position-1640677507747 (READ-ONLY COPY).

The authoritative reference and input builder live on the scoring server;
editing this copy changes nothing except your own understanding.
"""

import jax, jax.numpy as jnp
import numpy as np
import math

VOCAB_SIZE = 1000000
DIM = 64
MAX_SEQ_LEN = 200
BATCH = 1024
SEQ_LEN = 200


def _position_embedding():
    # pe[i, j] = sin(i * exp(-(j/DIM)*ln(10000)))          if j even
    #          = cos(i * exp(-((j-1)/DIM)*ln(10000)))       if j odd
    i = np.arange(MAX_SEQ_LEN, dtype=np.float64)[:, None]
    j = np.arange(DIM, dtype=np.float64)[None, :]
    even_mask = (np.arange(DIM) % 2 == 0)[None, :]
    temp_even = np.exp(-(j / DIM) * math.log(10000.0))
    temp_odd = np.exp(-((j - 1.0) / DIM) * math.log(10000.0))
    pe = np.where(even_mask, np.sin(i * temp_even), np.cos(i * temp_odd))
    return jnp.asarray(pe, dtype=jnp.float32)


def setup_inputs(seed: int = 0) -> dict:
    key = jax.random.key(seed)
    k1, k2 = jax.random.split(key)
    x = jax.random.randint(k1, (BATCH, SEQ_LEN), 0, VOCAB_SIZE, dtype=jnp.int32)
    # nn.Embedding default init: N(0, 1)
    table = jax.random.normal(k2, (VOCAB_SIZE, DIM), dtype=jnp.float32)
    return {"x": x, "table": table}


def reference(x, table):
    pe = _position_embedding()
    emb = jnp.take(table, x, axis=0)  # [B, L, DIM] gather
    out = emb + pe[None, :x.shape[1], :]
    return out

if __name__ == "__main__":
    import jax
    _d = setup_inputs()
    print(jax.jit(kernel)(*tuple(_d.values())))

</pallas_src>

<mosaic_0001>
#map = affine_map<(d0, d1) -> (0, 0, 0)>
#map1 = affine_map<(d0, d1) -> (0, 0)>
module attributes {stable_mosaic.version = 14 : i64} {
  func.func @_body(%arg0: i32, %arg1: i32, %arg2: memref<4x50x1024xi32, #tpu.memory_space<hbm>>, %arg3: memref<4x50x1024xi32, #tpu.memory_space<hbm>>, %arg4: memref<4x50x1024xf32, #tpu.memory_space<hbm>>, %arg5: memref<500000x128xf32, #tpu.memory_space<hbm>>, %arg6: memref<200x64x1024xf32, #tpu.memory_space<hbm>>, %arg7: memref<50x128xi32, #tpu.memory_space<vmem>>, %arg8: memref<50x128xi32, #tpu.memory_space<vmem>>, %arg9: memref<50x1024xf32, #tpu.memory_space<vmem>>, %arg10: memref<128x128xf32, #tpu.memory_space<vmem>>, %arg11: memref<128x128xf32, #tpu.memory_space<vmem>>, %arg12: memref<64x128xf32, #tpu.memory_space<vmem>>, %arg13: memref<64x128xf32, #tpu.memory_space<vmem>>, %arg14: memref<!tpu.dma_semaphore, #tpu.memory_space<semaphore_mem>>, %arg15: memref<!tpu.dma_semaphore, #tpu.memory_space<semaphore_mem>>, %arg16: memref<!tpu.dma_semaphore, #tpu.memory_space<semaphore_mem>>, %arg17: memref<!tpu.dma_semaphore, #tpu.memory_space<semaphore_mem>>, %arg18: memref<!tpu.dma_semaphore, #tpu.memory_space<semaphore_mem>>) attributes {dimension_semantics = [#tpu.dimension_semantics<core_parallel>, #tpu.dimension_semantics<subcore_parallel>], iteration_bounds = array<i64: 2, 16>, scalar_prefetch = 0 : i64, scratch_operands = 12 : i64, tpu.core_type = #tpu.core_type<sc_vector_subcore>, window_params = [{transform_indices = #map}, {transform_indices = #map}, {transform_indices = #map}, {transform_indices = #map1}, {transform_indices = #map}]} {
    %mul3A = arith.constant 2 : i32
    %mul3A_0 = arith.muli %arg1, %mul3A : i32
    %add3A = arith.addi %mul3A_0, %arg0 : i32
    %jit3A = arith.constant 8 : i32
    %eq3A = arith.constant 0 : i32
    %eq3A_1 = arith.cmpi eq, %jit3A, %eq3A : i32
    %jit3A_2 = arith.constant 1 : i32
    %select_n3A = arith.select %eq3A_1, %jit3A_2, %jit3A : i32
    %rem3A = arith.remsi %add3A, %select_n3A : i32
    %ne3A = arith.constant 0 : i32
    %ne3A_3 = arith.cmpi ne, %rem3A, %ne3A : i32
    %lt3A = arith.constant 0 : i32
    %lt3A_4 = arith.cmpi slt, %rem3A, %lt3A : i32
    %lt3A_5 = arith.constant 0 : i32
    %lt3A_6 = arith.cmpi slt, %select_n3A, %lt3A_5 : i32
    %ne3A_7 = arith.xori %lt3A_4, %lt3A_6 : i1
    %and3A = arith.andi %ne3A_7, %ne3A_3 : i1
    %add3A_8 = arith.addi %rem3A, %select_n3A : i32
    %select_n3A_9 = arith.select %and3A, %add3A_8, %rem3A : i32
    %jit3A_10 = arith.constant 8 : i32
    %div3A = arith.divsi %add3A, %jit3A_10 : i32
    %sign3A = arith.constant 0 : i32
    %sign3A_11 = arith.cmpi sgt, %add3A, %sign3A : i32
    %sign3A_12 = arith.extui %sign3A_11 : i1 to i32
    %sign3A_13 = arith.constant 0 : i32
    %sign3A_14 = arith.cmpi slt, %add3A, %sign3A_13 : i32
    %sign3A_15 = arith.extui %sign3A_14 : i1 to i32
    %sign3A_16 = arith.subi %sign3A_12, %sign3A_15 : i32
    %sign3A_17 = arith.constant 0 : i32
    %sign3A_18 = arith.cmpi sgt, %jit3A_10, %sign3A_17 : i32
    %sign3A_19 = arith.extui %sign3A_18 : i1 to i32
    %sign3A_20 = arith.constant 0 : i32
    %sign3A_21 = arith.cmpi slt, %jit3A_10, %sign3A_20 : i32
    %sign3A_22 = arith.extui %sign3A_21 : i1 to i32
    %sign3A_23 = arith.subi %sign3A_19, %sign3A_22 : i32
    %ne3A_24 = arith.cmpi ne, %sign3A_16, %sign3A_23 : i32
    %rem3A_25 = arith.remsi %add3A, %jit3A_10 : i32
    %ne3A_26 = arith.constant 0 : i32
    %ne3A_27 = arith.cmpi ne, %rem3A_25, %ne3A_26 : i32
    %and3A_28 = arith.andi %ne3A_24, %ne3A_27 : i1
    %sub3A = arith.constant 1 : i32
    %sub3A_29 = arith.subi %div3A, %sub3A : i32
    %select_n3A_30 = arith.select %and3A_28, %sub3A_29, %div3A : i32
    %mul3A_31 = arith.constant 128 : i32
    %mul3A_32 = arith.muli %select_n3A_9, %mul3A_31 : i32
    %dma_start3A = arith.constant 0 : i32
    %dma_start3A_33 = tpu.memref_slice %arg2[%select_n3A_30, %dma_start3A, %mul3A_32] : memref<4x50x1024xi32, #tpu.memory_space<hbm>> -> memref<1x50x128xi32, #tpu.memory_space<hbm>>
    %dma_start3A_34 = tpu.memref_squeeze %dma_start3A_33 : memref<1x50x128xi32, #tpu.memory_space<hbm>> -> memref<50x128xi32, #tpu.memory_space<hbm>>
    %dma_start3A_35 = arith.constant 0 : i32
    %dma_start3A_36 = tpu.memref_slice %arg2[%select_n3A_30, %dma_start3A_35, %mul3A_32] : memref<4x50x1024xi32, #tpu.memory_space<hbm>> -> memref<1x50x128xi32, #tpu.memory_space<hbm>>
    %dma_start3A_37 = tpu.memref_squeeze %dma_start3A_36 : memref<1x50x128xi32, #tpu.memory_space<hbm>> -> memref<50x128xi32, #tpu.memory_space<hbm>>
    tpu.enqueue_dma source(%dma_start3A_37 : memref<50x128xi32, #tpu.memory_space<hbm>>) target(%arg7 : memref<50x128xi32, #tpu.memory_space<vmem>>) target_semaphore(%arg14 : memref<!tpu.dma_semaphore, #tpu.memory_space<semaphore_mem>>)
    %dma_start3A_38 = arith.constant 0 : i32
    %dma_start3A_39 = tpu.memref_slice %arg3[%select_n3A_30, %dma_start3A_38, %mul3A_32] : memref<4x50x1024xi32, #tpu.memory_space<hbm>> -> memref<1x50x128xi32, #tpu.memory_space<hbm>>
    %dma_start3A_40 = tpu.memref_squeeze %dma_start3A_39 : memref<1x50x128xi32, #tpu.memory_space<hbm>> -> memref<50x128xi32, #tpu.memory_space<hbm>>
    %dma_start3A_41 = arith.constant 0 : i32
    %dma_start3A_42 = tpu.memref_slice %arg3[%select_n3A_30, %dma_start3A_41, %mul3A_32] : memref<4x50x1024xi32, #tpu.memory_space<hbm>> -> memref<1x50x128xi32, #tpu.memory_space<hbm>>
    %dma_start3A_43 = tpu.memref_squeeze %dma_start3A_42 : memref<1x50x128xi32, #tpu.memory_space<hbm>> -> memref<50x128xi32, #tpu.memory_space<hbm>>
    tpu.enqueue_dma source(%dma_start3A_43 : memref<50x128xi32, #tpu.memory_space<hbm>>) target(%arg8 : memref<50x128xi32, #tpu.memory_space<vmem>>) target_semaphore(%arg14 : memref<!tpu.dma_semaphore, #tpu.memory_space<semaphore_mem>>)
    %dma_start3A_44 = arith.constant 0 : i32
    %dma_start3A_45 = arith.constant 0 : i32
    %dma_start3A_46 = tpu.memref_slice %arg4[%select_n3A_30, %dma_start3A_44, %dma_start3A_45] : memref<4x50x1024xf32, #tpu.memory_space<hbm>> -> memref<1x50x1024xf32, #tpu.memory_space<hbm>>
    %dma_start3A_47 = tpu.memref_squeeze %dma_start3A_46 : memref<1x50x1024xf32, #tpu.memory_space<hbm>> -> memref<50x1024xf32, #tpu.memory_space<hbm>>
    %dma_start3A_48 = arith.constant 0 : i32
    %dma_start3A_49 = arith.constant 0 : i32
    %dma_start3A_50 = tpu.memref_slice %arg4[%select_n3A_30, %dma_start3A_48, %dma_start3A_49] : memref<4x50x1024xf32, #tpu.memory_space<hbm>> -> memref<1x50x1024xf32, #tpu.memory_space<hbm>>
    %dma_start3A_51 = tpu.memref_squeeze %dma_start3A_50 : memref<1x50x1024xf32, #tpu.memory_space<hbm>> -> memref<50x1024xf32, #tpu.memory_space<hbm>>
    tpu.enqueue_dma source(%dma_start3A_51 : memref<50x1024xf32, #tpu.memory_space<hbm>>) target(%arg9 : memref<50x1024xf32, #tpu.memory_space<vmem>>) target_semaphore(%arg14 : memref<!tpu.dma_semaphore, #tpu.memory_space<semaphore_mem>>)
    %dma_wait3A = arith.constant 0 : i32
    %dma_wait3A_52 = tpu.memref_slice %arg2[%select_n3A_30, %dma_wait3A, %mul3A_32] : memref<4x50x1024xi32, #tpu.memory_space<hbm>> -> memref<1x50x128xi32, #tpu.memory_space<hbm>>
    %dma_wait3A_53 = tpu.memref_squeeze %dma_wait3A_52 : memref<1x50x128xi32, #tpu.memory_space<hbm>> -> memref<50x128xi32, #tpu.memory_space<hbm>>
    %dma_wait3A_54 = arith.constant 0 : i32
    %dma_wait3A_55 = tpu.memref_slice %arg2[%select_n3A_30, %dma_wait3A_54, %mul3A_32] : memref<4x50x1024xi32, #tpu.memory_space<hbm>> -> memref<1x50x128xi32, #tpu.memory_space<hbm>>
    %dma_wait3A_56 = tpu.memref_squeeze %dma_wait3A_55 : memref<1x50x128xi32, #tpu.memory_space<hbm>> -> memref<50x128xi32, #tpu.memory_space<hbm>>
    tpu.wait_dma2 semaphore(%arg14 : memref<!tpu.dma_semaphore, #tpu.memory_space<semaphore_mem>>) src(%dma_wait3A_56 : memref<50x128xi32, #tpu.memory_space<hbm>>) dst(%arg7 : memref<50x128xi32, #tpu.memory_space<vmem>>)
    %dma_wait3A_57 = arith.constant 0 : i32
    %dma_wait3A_58 = tpu.memref_slice %arg3[%select_n3A_30, %dma_wait3A_57, %mul3A_32] : memref<4x50x1024xi32, #tpu.memory_space<hbm>> -> memref<1x50x128xi32, #tpu.memory_space<hbm>>
    %dma_wait3A_59 = tpu.memref_squeeze %dma_wait3A_58 : memref<1x50x128xi32, #tpu.memory_space<hbm>> -> memref<50x128xi32, #tpu.memory_space<hbm>>
    %dma_wait3A_60 = arith.constant 0 : i32
    %dma_wait3A_61 = tpu.memref_slice %arg3[%select_n3A_30, %dma_wait3A_60, %mul3A_32] : memref<4x50x1024xi32, #tpu.memory_space<hbm>> -> memref<1x50x128xi32, #tpu.memory_space<hbm>>
    %dma_wait3A_62 = tpu.memref_squeeze %dma_wait3A_61 : memref<1x50x128xi32, #tpu.memory_space<hbm>> -> memref<50x128xi32, #tpu.memory_space<hbm>>
    tpu.wait_dma2 semaphore(%arg14 : memref<!tpu.dma_semaphore, #tpu.memory_space<semaphore_mem>>) src(%dma_wait3A_62 : memref<50x128xi32, #tpu.memory_space<hbm>>) dst(%arg8 : memref<50x128xi32, #tpu.memory_space<vmem>>)
    %dma_wait3A_63 = arith.constant 0 : i32
    %dma_wait3A_64 = arith.constant 0 : i32
    %dma_wait3A_65 = tpu.memref_slice %arg4[%select_n3A_30, %dma_wait3A_63, %dma_wait3A_64] : memref<4x50x1024xf32, #tpu.memory_space<hbm>> -> memref<1x50x1024xf32, #tpu.memory_space<hbm>>
    %dma_wait3A_66 = tpu.memref_squeeze %dma_wait3A_65 : memref<1x50x1024xf32, #tpu.memory_space<hbm>> -> memref<50x1024xf32, #tpu.memory_space<hbm>>
    %dma_wait3A_67 = arith.constant 0 : i32
    %dma_wait3A_68 = arith.constant 0 : i32
    %dma_wait3A_69 = tpu.memref_slice %arg4[%select_n3A_30, %dma_wait3A_67, %dma_wait3A_68] : memref<4x50x1024xf32, #tpu.memory_space<hbm>> -> memref<1x50x1024xf32, #tpu.memory_space<hbm>>
    %dma_wait3A_70 = tpu.memref_squeeze %dma_wait3A_69 : memref<1x50x1024xf32, #tpu.memory_space<hbm>> -> memref<50x1024xf32, #tpu.memory_space<hbm>>
    tpu.wait_dma2 semaphore(%arg14 : memref<!tpu.dma_semaphore, #tpu.memory_space<semaphore_mem>>) src(%dma_wait3A_70 : memref<50x1024xf32, #tpu.memory_space<hbm>>) dst(%arg9 : memref<50x1024xf32, #tpu.memory_space<vmem>>)
    %dma_start3A_71 = arith.constant 0 : i32
    %dma_start3A_72 = arith.constant 0 : i32
    %dma_start3A_73 = tpu.memref_slice %arg7[%dma_start3A_71, %dma_start3A_72] : memref<50x128xi32, #tpu.memory_space<vmem>> -> memref<1x128xi32, #tpu.memory_space<vmem>>
    %dma_start3A_74 = tpu.memref_squeeze %dma_start3A_73 : memref<1x128xi32, #tpu.memory_space<vmem>> -> memref<128xi32, #tpu.memory_space<vmem>>
    %dma_start3A_75 = arith.constant 0 : i32
    %dma_start3A_76 = arith.constant 0 : i32
    %dma_start3A_77 = tpu.memref_slice %arg5[%dma_start3A_75, %dma_start3A_76] : memref<500000x128xf32, #tpu.memory_space<hbm>> -> memref<500000x128xf32, #tpu.memory_space<hbm>>
    tpu.enqueue_indirect_dma source(%dma_start3A_77 : memref<500000x128xf32, #tpu.memory_space<hbm>>) target(%arg10 : memref<128x128xf32, #tpu.memory_space<vmem>>) offsets(%dma_start3A_74 : memref<128xi32, #tpu.memory_space<vmem>>) semaphore(%arg15 : memref<!tpu.dma_semaphore, #tpu.memory_space<semaphore_mem>>)
    %dma_start3A_78 = arith.constant 1 : i32
    %dma_start3A_79 = arith.constant 0 : i32
    %dma_start3A_80 = tpu.memref_slice %arg7[%dma_start3A_78, %dma_start3A_79] : memref<50x128xi32, #tpu.memory_space<vmem>> -> memref<1x128xi32, #tpu.memory_space<vmem>>
    %dma_start3A_81 = tpu.memref_squeeze %dma_start3A_80 : memref<1x128xi32, #tpu.memory_space<vmem>> -> memref<128xi32, #tpu.memory_space<vmem>>
    %dma_start3A_82 = arith.constant 0 : i32
    %dma_start3A_83 = arith.constant 0 : i32
    %dma_start3A_84 = tpu.memref_slice %arg5[%dma_start3A_82, %dma_start3A_83] : memref<500000x128xf32, #tpu.memory_space<hbm>> -> memref<500000x128xf32, #tpu.memory_space<hbm>>
    tpu.enqueue_indirect_dma source(%dma_start3A_84 : memref<500000x128xf32, #tpu.memory_space<hbm>>) target(%arg11 : memref<128x128xf32, #tpu.memory_space<vmem>>) offsets(%dma_start3A_81 : memref<128xi32, #tpu.memory_space<vmem>>) semaphore(%arg16 : memref<!tpu.dma_semaphore, #tpu.memory_space<semaphore_mem>>)
    %scan3A = arith.constant 0 : i32
    %scan3A_85 = arith.constant 0 : i32
    %scan3A_86 = arith.constant 25 : i32
    %scan3A_87 = arith.addi %scan3A_85, %scan3A_86 : i32
    %scan3A_88 = arith.constant 1 : i32
    scf.for %scan3A_104 = %scan3A_85 to %scan3A_87 step %scan3A_88  : i32 {
      %mul3A_105 = arith.constant 2 : i32
      %mul3A_106 = arith.muli %mul3A_105, %scan3A_104 : i32
      %add3A_107 = arith.constant 1 : i32
      %add3A_108 = arith.addi %mul3A_106, %add3A_107 : i32
      %dma_wait3A_109 = arith.constant 0 : i32
      %dma_wait3A_110 = arith.constant 0 : i32
      %dma_wait3A_111 = tpu.memref_slice %arg7[%dma_wait3A_109, %dma_wait3A_110] : memref<50x128xi32, #tpu.memory_space<vmem>> -> memref<1x128xi32, #tpu.memory_space<vmem>>
      %dma_wait3A_112 = tpu.memref_squeeze %dma_wait3A_111 : memref<1x128xi32, #tpu.memory_space<vmem>> -> memref<128xi32, #tpu.memory_space<vmem>>
      %dma_wait3A_113 = arith.constant 0 : i32
      %dma_wait3A_114 = arith.constant 0 : i32
      %dma_wait3A_115 = tpu.memref_slice %arg5[%dma_wait3A_113, %dma_wait3A_114] : memref<500000x128xf32, #tpu.memory_space<hbm>> -> memref<500000x128xf32, #tpu.memory_space<hbm>>
      tpu.wait_indirect_dma semaphore(%arg15 : memref<!tpu.dma_semaphore, #tpu.memory_space<semaphore_mem>>) src(%dma_wait3A_115 : memref<500000x128xf32, #tpu.memory_space<hbm>>) dst(%arg10 : memref<128x128xf32, #tpu.memory_space<vmem>>)
      %gt3A = arith.constant 0 : i32
      %gt3A_116 = arith.cmpi sgt, %scan3A_104, %gt3A : i32
      %convert_element_type3A = arith.extui %gt3A_116 : i1 to i32
      %cond3A = arith.constant 0 : i32
      %cond3A_117 = arith.cmpi ne, %convert_element_type3A, %cond3A : i32
      scf.if %cond3A_117 {
        %dma_wait3A_259 = arith.constant 0 : i32
        %dma_wait3A_260 = arith.constant 0 : i32
        %dma_wait3A_261 = tpu.memref_slice %arg6[%dma_wait3A_259, %dma_wait3A_260, %mul3A_32] : memref<200x64x1024xf32, #tpu.memory_space<hbm>> -> memref<1x64x128xf32, #tpu.memory_space<hbm>>
        %dma_wait3A_262 = tpu.memref_squeeze %dma_wait3A_261 : memref<1x64x128xf32, #tpu.memory_space<hbm>> -> memref<64x128xf32, #tpu.memory_space<hbm>>
        %dma_wait3A_263 = arith.constant 0 : i32
        %dma_wait3A_264 = tpu.memref_slice %arg6[%dma_wait3A_259, %dma_wait3A_263, %mul3A_32] : memref<200x64x1024xf32, #tpu.memory_space<hbm>> -> memref<1x64x128xf32, #tpu.memory_space<hbm>>
        %dma_wait3A_265 = tpu.memref_squeeze %dma_wait3A_264 : memref<1x64x128xf32, #tpu.memory_space<hbm>> -> memref<64x128xf32, #tpu.memory_space<hbm>>
        tpu.wait_dma2 semaphore(%arg17 : memref<!tpu.dma_semaphore, #tpu.memory_space<semaphore_mem>>) src(%arg12 : memref<64x128xf32, #tpu.memory_space<vmem>>) dst(%dma_wait3A_265 : memref<64x128xf32, #tpu.memory_space<hbm>>)
      } else {
      }
      %iota3A = tpu.iota {dimensions = array<i32: 0>} : vector<16xi32>
      %add3A_118 = arith.constant 0 : i32
      %add3A_119 = vector.broadcast %add3A_118 : i32 to vector<16xi32>
      %add3A_120 = arith.addi %iota3A, %add3A_119 : vector<16xi32>
      %add3A_121 = arith.constant 16 : i32
      %add3A_122 = vector.broadcast %add3A_121 : i32 to vector<16xi32>
      %add3A_123 = arith.addi %iota3A, %add3A_122 : vector<16xi32>
      %add3A_124 = arith.constant 32 : i32
      %add3A_125 = vector.broadcast %add3A_124 : i32 to vector<16xi32>
      %add3A_126 = arith.addi %iota3A, %add3A_125 : vector<16xi32>
      %add3A_127 = arith.constant 48 : i32
      %add3A_128 = vector.broadcast %add3A_127 : i32 to vector<16xi32>
      %add3A_129 = arith.addi %iota3A, %add3A_128 : vector<16xi32>
      %add3A_130 = arith.constant 64 : i32
      %add3A_131 = vector.broadcast %add3A_130 : i32 to vector<16xi32>
      %add3A_132 = arith.addi %iota3A, %add3A_131 : vector<16xi32>
      %add3A_133 = arith.constant 80 : i32
      %add3A_134 = vector.broadcast %add3A_133 : i32 to vector<16xi32>
      %add3A_135 = arith.addi %iota3A, %add3A_134 : vector<16xi32>
      %add3A_136 = arith.constant 96 : i32
      %add3A_137 = vector.broadcast %add3A_136 : i32 to vector<16xi32>
      %add3A_138 = arith.addi %iota3A, %add3A_137 : vector<16xi32>
      %add3A_139 = arith.constant 112 : i32
      %add3A_140 = vector.broadcast %add3A_139 : i32 to vector<16xi32>
      %add3A_141 = arith.addi %iota3A, %add3A_140 : vector<16xi32>
      %get3A = arith.index_cast %mul3A_106 : i32 to index
      %get3A_142 = arith.constant 0 : index
      %get3A_143 = tpu.vector_load %arg8[%get3A, %get3A_142] {strides = array<i32>} : memref<50x128xi32, #tpu.memory_space<vmem>>, vector<16xi32>,
      %get3A_144 = arith.index_cast %mul3A_106 : i32 to index
      %get3A_145 = arith.constant 16 : index
      %get3A_146 = tpu.vector_load %arg8[%get3A_144, %get3A_145] {strides = array<i32>} : memref<50x128xi32, #tpu.memory_space<vmem>>, vector<16xi32>,
      %get3A_147 = arith.index_cast %mul3A_106 : i32 to index
      %get3A_148 = arith.constant 32 : index
      %get3A_149 = tpu.vector_load %arg8[%get3A_147, %get3A_148] {strides = array<i32>} : memref<50x128xi32, #tpu.memory_space<vmem>>, vector<16xi32>,
      %get3A_150 = arith.index_cast %mul3A_106 : i32 to index
      %get3A_151 = arith.constant 48 : index
      %get3A_152 = tpu.vector_load %arg8[%get3A_150, %get3A_151] {strides = array<i32>} : memref<50x128xi32, #tpu.memory_space<vmem>>, vector<16xi32>,
      %get3A_153 = arith.index_cast %mul3A_106 : i32 to index
      %get3A_154 = arith.constant 64 : index
      %get3A_155 = tpu.vector_load %arg8[%get3A_153, %get3A_154] {strides = array<i32>} : memref<50x128xi32, #tpu.memory_space<vmem>>, vector<16xi32>,
      %get3A_156 = arith.index_cast %mul3A_106 : i32 to index
      %get3A_157 = arith.constant 80 : index
      %get3A_158 = tpu.vector_load %arg8[%get3A_156, %get3A_157] {strides = array<i32>} : memref<50x128xi32, #tpu.memory_space<vmem>>, vector<16xi32>,
      %get3A_159 = arith.index_cast %mul3A_106 : i32 to index
      %get3A_160 = arith.constant 96 : index
      %get3A_161 = tpu.vector_load %arg8[%get3A_159, %get3A_160] {strides = array<i32>} : memref<50x128xi32, #tpu.memory_space<vmem>>, vector<16xi32>,
      %get3A_162 = arith.index_cast %mul3A_106 : i32 to index
      %get3A_163 = arith.constant 112 : index
      %get3A_164 = tpu.vector_load %arg8[%get3A_162, %get3A_163] {strides = array<i32>} : memref<50x128xi32, #tpu.memory_space<vmem>>, vector<16xi32>,
      %parallel_loop3A = arith.constant 0 : i32
      %parallel_loop3A_165 = arith.constant 64 : i32
      %parallel_loop3A_166 = arith.constant 1 : i32
      scf.for %parallel_loop3A_259 = %parallel_loop3A to %parallel_loop3A_165 step %parallel_loop3A_166  : i32 {
        %parallel_loop3A_260 = arith.constant 16 : i32
        %parallel_loop3A_261 = arith.muli %parallel_loop3A_259, %parallel_loop3A_260 : i32
        %parallel_loop3A_262 = arith.index_cast %mul3A_106 : i32 to index
        %parallel_loop3A_263 = arith.index_cast %parallel_loop3A_261 : i32 to index
        %parallel_loop3A_264 = tpu.vector_load %arg9[%parallel_loop3A_262, %parallel_loop3A_263] {strides = array<i32>} : memref<50x1024xf32, #tpu.memory_space<vmem>>, vector<16xf32>,
        %parallel_loop3A_265 = vector.broadcast %parallel_loop3A_259 : i32 to vector<16xi32>
        %parallel_loop3A_266 = arith.addi %get3A_143, %parallel_loop3A_265 : vector<16xi32>
        %parallel_loop3A_267 = tpu.vector_load_idx %arg10[%add3A_120, %parallel_loop3A_266] : memref<128x128xf32, #tpu.memory_space<vmem>>[vector<16xi32>, vector<16xi32>], vector<16xf32>,
        %parallel_loop3A_268 = arith.addf %parallel_loop3A_267, %parallel_loop3A_264 : vector<16xf32>
        %parallel_loop3A_269 = arith.index_cast %parallel_loop3A_259 : i32 to index
        %parallel_loop3A_270 = arith.constant 0 : index
        %parallel_loop3A_271 = tpu.vector_load %arg12[%parallel_loop3A_269, %parallel_loop3A_270] {strides = array<i32>} : memref<64x128xf32, #tpu.memory_space<vmem>>, vector<16xf32>,
        tpu.vector_store %arg12[%parallel_loop3A_269, %parallel_loop3A_270], %parallel_loop3A_268 {strides = array<i32>} : memref<64x128xf32, #tpu.memory_space<vmem>>, vector<16xf32>,
        %parallel_loop3A_272 = vector.broadcast %parallel_loop3A_259 : i32 to vector<16xi32>
        %parallel_loop3A_273 = arith.addi %get3A_146, %parallel_loop3A_272 : vector<16xi32>
        %parallel_loop3A_274 = tpu.vector_load_idx %arg10[%add3A_123, %parallel_loop3A_273] : memref<128x128xf32, #tpu.memory_space<vmem>>[vector<16xi32>, vector<16xi32>], vector<16xf32>,
        %parallel_loop3A_275 = arith.addf %parallel_loop3A_274, %parallel_loop3A_264 : vector<16xf32>
        %parallel_loop3A_276 = arith.index_cast %parallel_loop3A_259 : i32 to index
        %parallel_loop3A_277 = arith.constant 16 : index
        %parallel_loop3A_278 = tpu.vector_load %arg12[%parallel_loop3A_276, %parallel_loop3A_277] {strides = array<i32>} : memref<64x128xf32, #tpu.memory_space<vmem>>, vector<16xf32>,
        tpu.vector_store %arg12[%parallel_loop3A_276, %parallel_loop3A_277], %parallel_loop3A_275 {strides = array<i32>} : memref<64x128xf32, #tpu.memory_space<vmem>>, vector<16xf32>,
        %parallel_loop3A_279 = vector.broadcast %parallel_loop3A_259 : i32 to vector<16xi32>
        %parallel_loop3A_280 = arith.addi %get3A_149, %parallel_loop3A_279 : vector<16xi32>
        %parallel_loop3A_281 = tpu.vector_load_idx %arg10[%add3A_126, %parallel_loop3A_280] : memref<128x128xf32, #tpu.memory_space<vmem>>[vector<16xi32>, vector<16xi32>], vector<16xf32>,
        %parallel_loop3A_282 = arith.addf %parallel_loop3A_281, %parallel_loop3A_264 : vector<16xf32>
        %parallel_loop3A_283 = arith.index_cast %parallel_loop3A_259 : i32 to index
        %parallel_loop3A_284 = arith.constant 32 : index
        %parallel_loop3A_285 = tpu.vector_load %arg12[%parallel_loop3A_283, %parallel_loop3A_284] {strides = array<i32>} : memref<64x128xf32, #tpu.memory_space<vmem>>, vector<16xf32>,
        tpu.vector_store %arg12[%parallel_loop3A_283, %parallel_loop3A_284], %parallel_loop3A_282 {strides = array<i32>} : memref<64x128xf32, #tpu.memory_space<vmem>>, vector<16xf32>,
        %parallel_loop3A_286 = vector.broadcast %parallel_loop3A_259 : i32 to vector<16xi32>
        %parallel_loop3A_287 = arith.addi %get3A_152, %parallel_loop3A_286 : vector<16xi32>
        %parallel_loop3A_288 = tpu.vector_load_idx %arg10[%add3A_129, %parallel_loop3A_287] : memref<128x128xf32, #tpu.memory_space<vmem>>[vector<16xi32>, vector<16xi32>], vector<16xf32>,
        %parallel_loop3A_289 = arith.addf %parallel_loop3A_288, %parallel_loop3A_264 : vector<16xf32>
        %parallel_loop3A_290 = arith.index_cast %parallel_loop3A_259 : i32 to index
        %parallel_loop3A_291 = arith.constant 48 : index
        %parallel_loop3A_292 = tpu.vector_load %arg12[%parallel_loop3A_290, %parallel_loop3A_291] {strides = array<i32>} : memref<64x128xf32, #tpu.memory_space<vmem>>, vector<16xf32>,
        tpu.vector_store %arg12[%parallel_loop3A_290, %parallel_loop3A_291], %parallel_loop3A_289 {strides = array<i32>} : memref<64x128xf32, #tpu.memory_space<vmem>>, vector<16xf32>,
        %parallel_loop3A_293 = vector.broadcast %parallel_loop3A_259 : i32 to vector<16xi32>
        %parallel_loop3A_294 = arith.addi %get3A_155, %parallel_loop3A_293 : vector<16xi32>
        %parallel_loop3A_295 = tpu.vector_load_idx %arg10[%add3A_132, %parallel_loop3A_294] : memref<128x128xf32, #tpu.memory_space<vmem>>[vector<16xi32>, vector<16xi32>], vector<16xf32>,
        %parallel_loop3A_296 = arith.addf %parallel_loop3A_295, %parallel_loop3A_264 : vector<16xf32>
        %parallel_loop3A_297 = arith.index_cast %parallel_loop3A_259 : i32 to index
        %parallel_loop3A_298 = arith.constant 64 : index
        %parallel_loop3A_299 = tpu.vector_load %arg12[%parallel_loop3A_297, %parallel_loop3A_298] {strides = array<i32>} : memref<64x128xf32, #tpu.memory_space<vmem>>, vector<16xf32>,
        tpu.vector_store %arg12[%parallel_loop3A_297, %parallel_loop3A_298], %parallel_loop3A_296 {strides = array<i32>} : memref<64x128xf32, #tpu.memory_space<vmem>>, vector<16xf32>,
        %parallel_loop3A_300 = vector.broadcast %parallel_loop3A_259 : i32 to vector<16xi32>
        %parallel_loop3A_301 = arith.addi %get3A_158, %parallel_loop3A_300 : vector<16xi32>
        %parallel_loop3A_302 = tpu.vector_load_idx %arg10[%add3A_135, %parallel_loop3A_301] : memref<128x128xf32, #tpu.memory_space<vmem>>[vector<16xi32>, vector<16xi32>], vector<16xf32>,
        %parallel_loop3A_303 = arith.addf %parallel_loop3A_302, %parallel_loop3A_264 : vector<16xf32>
        %parallel_loop3A_304 = arith.index_cast %parallel_loop3A_259 : i32 to index
        %parallel_loop3A_305 = arith.constant 80 : index
        %parallel_loop3A_306 = tpu.vector_load %arg12[%parallel_loop3A_304, %parallel_loop3A_305] {strides = array<i32>} : memref<64x128xf32, #tpu.memory_space<vmem>>, vector<16xf32>,
        tpu.vector_store %arg12[%parallel_loop3A_304, %parallel_loop3A_305], %parallel_loop3A_303 {strides = array<i32>} : memref<64x128xf32, #tpu.memory_space<vmem>>, vector<16xf32>,
        %parallel_loop3A_307 = vector.broadcast %parallel_loop3A_259 : i32 to vector<16xi32>
        %parallel_loop3A_308 = arith.addi %get3A_161, %parallel_loop3A_307 : vector<16xi32>
        %parallel_loop3A_309 = tpu.vector_load_idx %arg10[%add3A_138, %parallel_loop3A_308] : memref<128x128xf32, #tpu.memory_space<vmem>>[vector<16xi32>, vector<16xi32>], vector<16xf32>,
        %parallel_loop3A_310 = arith.addf %parallel_loop3A_309, %parallel_loop3A_264 : vector<16xf32>
        %parallel_loop3A_311 = arith.index_cast %parallel_loop3A_259 : i32 to index
        %parallel_loop3A_312 = arith.constant 96 : index
        %parallel_loop3A_313 = tpu.vector_load %arg12[%parallel_loop3A_311, %parallel_loop3A_312] {strides = array<i32>} : memref<64x128xf32, #tpu.memory_space<vmem>>, vector<16xf32>,
        tpu.vector_store %arg12[%parallel_loop3A_311, %parallel_loop3A_312], %parallel_loop3A_310 {strides = array<i32>} : memref<64x128xf32, #tpu.memory_space<vmem>>, vector<16xf32>,
        %parallel_loop3A_314 = vector.broadcast %parallel_loop3A_259 : i32 to vector<16xi32>
        %parallel_loop3A_315 = arith.addi %get3A_164, %parallel_loop3A_314 : vector<16xi32>
        %parallel_loop3A_316 = tpu.vector_load_idx %arg10[%add3A_141, %parallel_loop3A_315] : memref<128x128xf32, #tpu.memory_space<vmem>>[vector<16xi32>, vector<16xi32>], vector<16xf32>,
        %parallel_loop3A_317 = arith.addf %parallel_loop3A_316, %parallel_loop3A_264 : vector<16xf32>
        %parallel_loop3A_318 = arith.index_cast %parallel_loop3A_259 : i32 to index
        %parallel_loop3A_319 = arith.constant 112 : index
        %parallel_loop3A_320 = tpu.vector_load %arg12[%parallel_loop3A_318, %parallel_loop3A_319] {strides = array<i32>} : memref<64x128xf32, #tpu.memory_space<vmem>>, vector<16xf32>,
        tpu.vector_store %arg12[%parallel_loop3A_318, %parallel_loop3A_319], %parallel_loop3A_317 {strides = array<i32>} : memref<64x128xf32, #tpu.memory_space<vmem>>, vector<16xf32>,
      } {sc.loop_unroll_factor = 4 : i64, sc.parallel_access}
      %lt3A_167 = arith.constant 24 : i32
      %lt3A_168 = arith.cmpi slt, %scan3A_104, %lt3A_167 : i32
      %convert_element_type3A_169 = arith.extui %lt3A_168 : i1 to i32
      %cond3A_170 = arith.constant 0 : i32
      %cond3A_171 = arith.cmpi ne, %convert_element_type3A_169, %cond3A_170 : i32
      scf.if %cond3A_171 {
        %add3A_259 = arith.constant 2 : i32
        %add3A_260 = arith.addi %mul3A_106, %add3A_259 : i32
        %dma_start3A_261 = arith.constant 0 : i32
        %dma_start3A_262 = tpu.memref_slice %arg7[%add3A_260, %dma_start3A_261] : memref<50x128xi32, #tpu.memory_space<vmem>> -> memref<1x128xi32, #tpu.memory_space<vmem>>
        %dma_start3A_263 = tpu.memref_squeeze %dma_start3A_262 : memref<1x128xi32, #tpu.memory_space<vmem>> -> memref<128xi32, #tpu.memory_space<vmem>>
        %dma_start3A_264 = arith.constant 0 : i32
        %dma_start3A_265 = arith.constant 0 : i32
        %dma_start3A_266 = tpu.memref_slice %arg5[%dma_start3A_264, %dma_start3A_265] : memref<500000x128xf32, #tpu.memory_space<hbm>> -> memref<500000x128xf32, #tpu.memory_space<hbm>>
        tpu.enqueue_indirect_dma source(%dma_start3A_266 : memref<500000x128xf32, #tpu.memory_space<hbm>>) target(%arg10 : memref<128x128xf32, #tpu.memory_space<vmem>>) offsets(%dma_start3A_263 : memref<128xi32, #tpu.memory_space<vmem>>) semaphore(%arg15 : memref<!tpu.dma_semaphore, #tpu.memory_space<semaphore_mem>>)
      } else {
      }
      %mul3A_172 = arith.constant 50 : i32
      %mul3A_173 = arith.muli %select_n3A_30, %mul3A_172 : i32
      %add3A_174 = arith.addi %mul3A_173, %mul3A_106 : i32
      %dma_start3A_175 = arith.constant 0 : i32
      %dma_start3A_176 = tpu.memref_slice %arg6[%add3A_174, %dma_start3A_175, %mul3A_32] : memref<200x64x1024xf32, #tpu.memory_space<hbm>> -> memref<1x64x128xf32, #tpu.memory_space<hbm>>
      %dma_start3A_177 = tpu.memref_squeeze %dma_start3A_176 : memref<1x64x128xf32, #tpu.memory_space<hbm>> -> memref<64x128xf32, #tpu.memory_space<hbm>>
      %dma_start3A_178 = arith.constant 0 : i32
      %dma_start3A_179 = tpu.memref_slice %arg6[%add3A_174, %dma_start3A_178, %mul3A_32] : memref<200x64x1024xf32, #tpu.memory_space<hbm>> -> memref<1x64x128xf32, #tpu.memory_space<hbm>>
      %dma_start3A_180 = tpu.memref_squeeze %dma_start3A_179 : memref<1x64x128xf32, #tpu.memory_space<hbm>> -> memref<64x128xf32, #tpu.memory_space<hbm>>
      tpu.enqueue_dma source(%arg12 : memref<64x128xf32, #tpu.memory_space<vmem>>) target(%dma_start3A_180 : memref<64x128xf32, #tpu.memory_space<hbm>>) target_semaphore(%arg17 : memref<!tpu.dma_semaphore, #tpu.memory_space<semaphore_mem>>)
      %dma_wait3A_181 = arith.constant 0 : i32
      %dma_wait3A_182 = arith.constant 0 : i32
      %dma_wait3A_183 = tpu.memref_slice %arg7[%dma_wait3A_181, %dma_wait3A_182] : memref<50x128xi32, #tpu.memory_space<vmem>> -> memref<1x128xi32, #tpu.memory_space<vmem>>
      %dma_wait3A_184 = tpu.memref_squeeze %dma_wait3A_183 : memref<1x128xi32, #tpu.memory_space<vmem>> -> memref<128xi32, #tpu.memory_space<vmem>>
      %dma_wait3A_185 = arith.constant 0 : i32
      %dma_wait3A_186 = arith.constant 0 : i32
      %dma_wait3A_187 = tpu.memref_slice %arg5[%dma_wait3A_185, %dma_wait3A_186] : memref<500000x128xf32, #tpu.memory_space<hbm>> -> memref<500000x128xf32, #tpu.memory_space<hbm>>
      tpu.wait_indirect_dma semaphore(%arg16 : memref<!tpu.dma_semaphore, #tpu.memory_space<semaphore_mem>>) src(%dma_wait3A_187 : memref<500000x128xf32, #tpu.memory_space<hbm>>) dst(%arg11 : memref<128x128xf32, #tpu.memory_space<vmem>>)
      %gt3A_188 = arith.constant 0 : i32
      %gt3A_189 = arith.cmpi sgt, %scan3A_104, %gt3A_188 : i32
      %convert_element_type3A_190 = arith.extui %gt3A_189 : i1 to i32
      %cond3A_191 = arith.constant 0 : i32
      %cond3A_192 = arith.cmpi ne, %convert_element_type3A_190, %cond3A_191 : i32
      scf.if %cond3A_192 {
        %dma_wait3A_259 = arith.constant 0 : i32
        %dma_wait3A_260 = arith.constant 0 : i32
        %dma_wait3A_261 = tpu.memref_slice %arg6[%dma_wait3A_259, %dma_wait3A_260, %mul3A_32] : memref<200x64x1024xf32, #tpu.memory_space<hbm>> -> memref<1x64x128xf32, #tpu.memory_space<hbm>>
        %dma_wait3A_262 = tpu.memref_squeeze %dma_wait3A_261 : memref<1x64x128xf32, #tpu.memory_space<hbm>> -> memref<64x128xf32, #tpu.memory_space<hbm>>
        %dma_wait3A_263 = arith.constant 0 : i32
        %dma_wait3A_264 = tpu.memref_slice %arg6[%dma_wait3A_259, %dma_wait3A_263, %mul3A_32] : memref<200x64x1024xf32, #tpu.memory_space<hbm>> -> memref<1x64x128xf32, #tpu.memory_space<hbm>>
        %dma_wait3A_265 = tpu.memref_squeeze %dma_wait3A_264 : memref<1x64x128xf32, #tpu.memory_space<hbm>> -> memref<64x128xf32, #tpu.memory_space<hbm>>
        tpu.wait_dma2 semaphore(%arg18 : memref<!tpu.dma_semaphore, #tpu.memory_space<semaphore_mem>>) src(%arg13 : memref<64x128xf32, #tpu.memory_space<vmem>>) dst(%dma_wait3A_265 : memref<64x128xf32, #tpu.memory_space<hbm>>)
      } else {
      }
      %iota3A_193 = tpu.iota {dimensions = array<i32: 0>} : vector<16xi32>
      %add3A_194 = arith.constant 0 : i32
      %add3A_195 = vector.broadcast %add3A_194 : i32 to vector<16xi32>
      %add3A_196 = arith.addi %iota3A_193, %add3A_195 : vector<16xi32>
      %add3A_197 = arith.constant 16 : i32
      %add3A_198 = vector.broadcast %add3A_197 : i32 to vector<16xi32>
      %add3A_199 = arith.addi %iota3A_193, %add3A_198 : vector<16xi32>
      %add3A_200 = arith.constant 32 : i32
      %add3A_201 = vector.broadcast %add3A_200 : i32 to vector<16xi32>
      %add3A_202 = arith.addi %iota3A_193, %add3A_201 : vector<16xi32>
      %add3A_203 = arith.constant 48 : i32
      %add3A_204 = vector.broadcast %add3A_203 : i32 to vector<16xi32>
      %add3A_205 = arith.addi %iota3A_193, %add3A_204 : vector<16xi32>
      %add3A_206 = arith.constant 64 : i32
      %add3A_207 = vector.broadcast %add3A_206 : i32 to vector<16xi32>
      %add3A_208 = arith.addi %iota3A_193, %add3A_207 : vector<16xi32>
      %add3A_209 = arith.constant 80 : i32
      %add3A_210 = vector.broadcast %add3A_209 : i32 to vector<16xi32>
      %add3A_211 = arith.addi %iota3A_193, %add3A_210 : vector<16xi32>
      %add3A_212 = arith.constant 96 : i32
      %add3A_213 = vector.broadcast %add3A_212 : i32 to vector<16xi32>
      %add3A_214 = arith.addi %iota3A_193, %add3A_213 : vector<16xi32>
      %add3A_215 = arith.constant 112 : i32
      %add3A_216 = vector.broadcast %add3A_215 : i32 to vector<16xi32>
      %add3A_217 = arith.addi %iota3A_193, %add3A_216 : vector<16xi32>
      %get3A_218 = arith.index_cast %add3A_108 : i32 to index
      %get3A_219 = arith.constant 0 : index
      %get3A_220 = tpu.vector_load %arg8[%get3A_218, %get3A_219] {strides = array<i32>} : memref<50x128xi32, #tpu.memory_space<vmem>>, vector<16xi32>,
      %get3A_221 = arith.index_cast %add3A_108 : i32 to index
      %get3A_222 = arith.constant 16 : index
      %get3A_223 = tpu.vector_load %arg8[%get3A_221, %get3A_222] {strides = array<i32>} : memref<50x128xi32, #tpu.memory_space<vmem>>, vector<16xi32>,
      %get3A_224 = arith.index_cast %add3A_108 : i32 to index
      %get3A_225 = arith.constant 32 : index
      %get3A_226 = tpu.vector_load %arg8[%get3A_224, %get3A_225] {strides = array<i32>} : memref<50x128xi32, #tpu.memory_space<vmem>>, vector<16xi32>,
      %get3A_227 = arith.index_cast %add3A_108 : i32 to index
      %get3A_228 = arith.constant 48 : index
      %get3A_229 = tpu.vector_load %arg8[%get3A_227, %get3A_228] {strides = array<i32>} : memref<50x128xi32, #tpu.memory_space<vmem>>, vector<16xi32>,
      %get3A_230 = arith.index_cast %add3A_108 : i32 to index
      %get3A_231 = arith.constant 64 : index
      %get3A_232 = tpu.vector_load %arg8[%get3A_230, %get3A_231] {strides = array<i32>} : memref<50x128xi32, #tpu.memory_space<vmem>>, vector<16xi32>,
      %get3A_233 = arith.index_cast %add3A_108 : i32 to index
      %get3A_234 = arith.constant 80 : index
      %get3A_235 = tpu.vector_load %arg8[%get3A_233, %get3A_234] {strides = array<i32>} : memref<50x128xi32, #tpu.memory_space<vmem>>, vector<16xi32>,
      %get3A_236 = arith.index_cast %add3A_108 : i32 to index
      %get3A_237 = arith.constant 96 : index
      %get3A_238 = tpu.vector_load %arg8[%get3A_236, %get3A_237] {strides = array<i32>} : memref<50x128xi32, #tpu.memory_space<vmem>>, vector<16xi32>,
      %get3A_239 = arith.index_cast %add3A_108 : i32 to index
      %get3A_240 = arith.constant 112 : index
      %get3A_241 = tpu.vector_load %arg8[%get3A_239, %get3A_240] {strides = array<i32>} : memref<50x128xi32, #tpu.memory_space<vmem>>, vector<16xi32>,
      %parallel_loop3A_242 = arith.constant 0 : i32
      %parallel_loop3A_243 = arith.constant 64 : i32
      %parallel_loop3A_244 = arith.constant 1 : i32
      scf.for %parallel_loop3A_259 = %parallel_loop3A_242 to %parallel_loop3A_243 step %parallel_loop3A_244  : i32 {
        %parallel_loop3A_260 = arith.constant 16 : i32
        %parallel_loop3A_261 = arith.muli %parallel_loop3A_259, %parallel_loop3A_260 : i32
        %parallel_loop3A_262 = arith.index_cast %add3A_108 : i32 to index
        %parallel_loop3A_263 = arith.index_cast %parallel_loop3A_261 : i32 to index
        %parallel_loop3A_264 = tpu.vector_load %arg9[%parallel_loop3A_262, %parallel_loop3A_263] {strides = array<i32>} : memref<50x1024xf32, #tpu.memory_space<vmem>>, vector<16xf32>,
        %parallel_loop3A_265 = vector.broadcast %parallel_loop3A_259 : i32 to vector<16xi32>
        %parallel_loop3A_266 = arith.addi %get3A_220, %parallel_loop3A_265 : vector<16xi32>
        %parallel_loop3A_267 = tpu.vector_load_idx %arg11[%add3A_196, %parallel_loop3A_266] : memref<128x128xf32, #tpu.memory_space<vmem>>[vector<16xi32>, vector<16xi32>], vector<16xf32>,
        %parallel_loop3A_268 = arith.addf %parallel_loop3A_267, %parallel_loop3A_264 : vector<16xf32>
        %parallel_loop3A_269 = arith.index_cast %parallel_loop3A_259 : i32 to index
        %parallel_loop3A_270 = arith.constant 0 : index
        %parallel_loop3A_271 = tpu.vector_load %arg13[%parallel_loop3A_269, %parallel_loop3A_270] {strides = array<i32>} : memref<64x128xf32, #tpu.memory_space<vmem>>, vector<16xf32>,
        tpu.vector_store %arg13[%parallel_loop3A_269, %parallel_loop3A_270], %parallel_loop3A_268 {strides = array<i32>} : memref<64x128xf32, #tpu.memory_space<vmem>>, vector<16xf32>,
        %parallel_loop3A_272 = vector.broadcast %parallel_loop3A_259 : i32 to vector<16xi32>
        %parallel_loop3A_273 = arith.addi %get3A_223, %parallel_loop3A_272 : vector<16xi32>
        %parallel_loop3A_274 = tpu.vector_load_idx %arg11[%add3A_199, %parallel_loop3A_273] : memref<128x128xf32, #tpu.memory_space<vmem>>[vector<16xi32>, vector<16xi32>], vector<16xf32>,
        %parallel_loop3A_275 = arith.addf %parallel_loop3A_274, %parallel_loop3A_264 : vector<16xf32>
        %parallel_loop3A_276 = arith.index_cast %parallel_loop3A_259 : i32 to index
        %parallel_loop3A_277 = arith.constant 16 : index
        %parallel_loop3A_278 = tpu.vector_load %arg13[%parallel_loop3A_276, %parallel_loop3A_277] {strides = array<i32>} : memref<64x128xf32, #tpu.memory_space<vmem>>, vector<16xf32>,
        tpu.vector_store %arg13[%parallel_loop3A_276, %parallel_loop3A_277], %parallel_loop3A_275 {strides = array<i32>} : memref<64x128xf32, #tpu.memory_space<vmem>>, vector<16xf32>,
        %parallel_loop3A_279 = vector.broadcast %parallel_loop3A_259 : i32 to vector<16xi32>
        %parallel_loop3A_280 = arith.addi %get3A_226, %parallel_loop3A_279 : vector<16xi32>
        %parallel_loop3A_281 = tpu.vector_load_idx %arg11[%add3A_202, %parallel_loop3A_280] : memref<128x128xf32, #tpu.memory_space<vmem>>[vector<16xi32>, vector<16xi32>], vector<16xf32>,
        %parallel_loop3A_282 = arith.addf %parallel_loop3A_281, %parallel_loop3A_264 : vector<16xf32>
        %parallel_loop3A_283 = arith.index_cast %parallel_loop3A_259 : i32 to index
        %parallel_loop3A_284 = arith.constant 32 : index
        %parallel_loop3A_285 = tpu.vector_load %arg13[%parallel_loop3A_283, %parallel_loop3A_284] {strides = array<i32>} : memref<64x128xf32, #tpu.memory_space<vmem>>, vector<16xf32>,
        tpu.vector_store %arg13[%parallel_loop3A_283, %parallel_loop3A_284], %parallel_loop3A_282 {strides = array<i32>} : memref<64x128xf32, #tpu.memory_space<vmem>>, vector<16xf32>,
        %parallel_loop3A_286 = vector.broadcast %parallel_loop3A_259 : i32 to vector<16xi32>
        %parallel_loop3A_287 = arith.addi %get3A_229, %parallel_loop3A_286 : vector<16xi32>
        %parallel_loop3A_288 = tpu.vector_load_idx %arg11[%add3A_205, %parallel_loop3A_287] : memref<128x128xf32, #tpu.memory_space<vmem>>[vector<16xi32>, vector<16xi32>], vector<16xf32>,
        %parallel_loop3A_289 = arith.addf %parallel_loop3A_288, %parallel_loop3A_264 : vector<16xf32>
        %parallel_loop3A_290 = arith.index_cast %parallel_loop3A_259 : i32 to index
        %parallel_loop3A_291 = arith.constant 48 : index
        %parallel_loop3A_292 = tpu.vector_load %arg13[%parallel_loop3A_290, %parallel_loop3A_291] {strides = array<i32>} : memref<64x128xf32, #tpu.memory_space<vmem>>, vector<16xf32>,
        tpu.vector_store %arg13[%parallel_loop3A_290, %parallel_loop3A_291], %parallel_loop3A_289 {strides = array<i32>} : memref<64x128xf32, #tpu.memory_space<vmem>>, vector<16xf32>,
        %parallel_loop3A_293 = vector.broadcast %parallel_loop3A_259 : i32 to vector<16xi32>
        %parallel_loop3A_294 = arith.addi %get3A_232, %parallel_loop3A_293 : vector<16xi32>
        %parallel_loop3A_295 = tpu.vector_load_idx %arg11[%add3A_208, %parallel_loop3A_294] : memref<128x128xf32, #tpu.memory_space<vmem>>[vector<16xi32>, vector<16xi32>], vector<16xf32>,
        %parallel_loop3A_296 = arith.addf %parallel_loop3A_295, %parallel_loop3A_264 : vector<16xf32>
        %parallel_loop3A_297 = arith.index_cast %parallel_loop3A_259 : i32 to index
        %parallel_loop3A_298 = arith.constant 64 : index
        %parallel_loop3A_299 = tpu.vector_load %arg13[%parallel_loop3A_297, %parallel_loop3A_298] {strides = array<i32>} : memref<64x128xf32, #tpu.memory_space<vmem>>, vector<16xf32>,
        tpu.vector_store %arg13[%parallel_loop3A_297, %parallel_loop3A_298], %parallel_loop3A_296 {strides = array<i32>} : memref<64x128xf32, #tpu.memory_space<vmem>>, vector<16xf32>,
        %parallel_loop3A_300 = vector.broadcast %parallel_loop3A_259 : i32 to vector<16xi32>
        %parallel_loop3A_301 = arith.addi %get3A_235, %parallel_loop3A_300 : vector<16xi32>
        %parallel_loop3A_302 = tpu.vector_load_idx %arg11[%add3A_211, %parallel_loop3A_301] : memref<128x128xf32, #tpu.memory_space<vmem>>[vector<16xi32>, vector<16xi32>], vector<16xf32>,
        %parallel_loop3A_303 = arith.addf %parallel_loop3A_302, %parallel_loop3A_264 : vector<16xf32>
        %parallel_loop3A_304 = arith.index_cast %parallel_loop3A_259 : i32 to index
        %parallel_loop3A_305 = arith.constant 80 : index
        %parallel_loop3A_306 = tpu.vector_load %arg13[%parallel_loop3A_304, %parallel_loop3A_305] {strides = array<i32>} : memref<64x128xf32, #tpu.memory_space<vmem>>, vector<16xf32>,
        tpu.vector_store %arg13[%parallel_loop3A_304, %parallel_loop3A_305], %parallel_loop3A_303 {strides = array<i32>} : memref<64x128xf32, #tpu.memory_space<vmem>>, vector<16xf32>,
        %parallel_loop3A_307 = vector.broadcast %parallel_loop3A_259 : i32 to vector<16xi32>
        %parallel_loop3A_308 = arith.addi %get3A_238, %parallel_loop3A_307 : vector<16xi32>
        %parallel_loop3A_309 = tpu.vector_load_idx %arg11[%add3A_214, %parallel_loop3A_308] : memref<128x128xf32, #tpu.memory_space<vmem>>[vector<16xi32>, vector<16xi32>], vector<16xf32>,
        %parallel_loop3A_310 = arith.addf %parallel_loop3A_309, %parallel_loop3A_264 : vector<16xf32>
        %parallel_loop3A_311 = arith.index_cast %parallel_loop3A_259 : i32 to index
        %parallel_loop3A_312 = arith.constant 96 : index
        %parallel_loop3A_313 = tpu.vector_load %arg13[%parallel_loop3A_311, %parallel_loop3A_312] {strides = array<i32>} : memref<64x128xf32, #tpu.memory_space<vmem>>, vector<16xf32>,
        tpu.vector_store %arg13[%parallel_loop3A_311, %parallel_loop3A_312], %parallel_loop3A_310 {strides = array<i32>} : memref<64x128xf32, #tpu.memory_space<vmem>>, vector<16xf32>,
        %parallel_loop3A_314 = vector.broadcast %parallel_loop3A_259 : i32 to vector<16xi32>
        %parallel_loop3A_315 = arith.addi %get3A_241, %parallel_loop3A_314 : vector<16xi32>
        %parallel_loop3A_316 = tpu.vector_load_idx %arg11[%add3A_217, %parallel_loop3A_315] : memref<128x128xf32, #tpu.memory_space<vmem>>[vector<16xi32>, vector<16xi32>], vector<16xf32>,
        %parallel_loop3A_317 = arith.addf %parallel_loop3A_316, %parallel_loop3A_264 : vector<16xf32>
        %parallel_loop3A_318 = arith.index_cast %parallel_loop3A_259 : i32 to index
        %parallel_loop3A_319 = arith.constant 112 : index
        %parallel_loop3A_320 = tpu.vector_load %arg13[%parallel_loop3A_318, %parallel_loop3A_319] {strides = array<i32>} : memref<64x128xf32, #tpu.memory_space<vmem>>, vector<16xf32>,
        tpu.vector_store %arg13[%parallel_loop3A_318, %parallel_loop3A_319], %parallel_loop3A_317 {strides = array<i32>} : memref<64x128xf32, #tpu.memory_space<vmem>>, vector<16xf32>,
      } {sc.loop_unroll_factor = 4 : i64, sc.parallel_access}
      %lt3A_245 = arith.constant 24 : i32
      %lt3A_246 = arith.cmpi slt, %scan3A_104, %lt3A_245 : i32
      %convert_element_type3A_247 = arith.extui %lt3A_246 : i1 to i32
      %cond3A_248 = arith.constant 0 : i32
      %cond3A_249 = arith.cmpi ne, %convert_element_type3A_247, %cond3A_248 : i32
      scf.if %cond3A_249 {
        %add3A_259 = arith.constant 2 : i32
        %add3A_260 = arith.addi %add3A_108, %add3A_259 : i32
        %dma_start3A_261 = arith.constant 0 : i32
        %dma_start3A_262 = tpu.memref_slice %arg7[%add3A_260, %dma_start3A_261] : memref<50x128xi32, #tpu.memory_space<vmem>> -> memref<1x128xi32, #tpu.memory_space<vmem>>
        %dma_start3A_263 = tpu.memref_squeeze %dma_start3A_262 : memref<1x128xi32, #tpu.memory_space<vmem>> -> memref<128xi32, #tpu.memory_space<vmem>>
        %dma_start3A_264 = arith.constant 0 : i32
        %dma_start3A_265 = arith.constant 0 : i32
        %dma_start3A_266 = tpu.memref_slice %arg5[%dma_start3A_264, %dma_start3A_265] : memref<500000x128xf32, #tpu.memory_space<hbm>> -> memref<500000x128xf32, #tpu.memory_space<hbm>>
        tpu.enqueue_indirect_dma source(%dma_start3A_266 : memref<500000x128xf32, #tpu.memory_space<hbm>>) target(%arg11 : memref<128x128xf32, #tpu.memory_space<vmem>>) offsets(%dma_start3A_263 : memref<128xi32, #tpu.memory_space<vmem>>) semaphore(%arg16 : memref<!tpu.dma_semaphore, #tpu.memory_space<semaphore_mem>>)
      } else {
      }
      %mul3A_250 = arith.constant 50 : i32
      %mul3A_251 = arith.muli %select_n3A_30, %mul3A_250 : i32
      %add3A_252 = arith.addi %mul3A_251, %add3A_108 : i32
      %dma_start3A_253 = arith.constant 0 : i32
      %dma_start3A_254 = tpu.memref_slice %arg6[%add3A_252, %dma_start3A_253, %mul3A_32] : memref<200x64x1024xf32, #tpu.memory_space<hbm>> -> memref<1x64x128xf32, #tpu.memory_space<hbm>>
      %dma_start3A_255 = tpu.memref_squeeze %dma_start3A_254 : memref<1x64x128xf32, #tpu.memory_space<hbm>> -> memref<64x128xf32, #tpu.memory_space<hbm>>
      %dma_start3A_256 = arith.constant 0 : i32
      %dma_start3A_257 = tpu.memref_slice %arg6[%add3A_252, %dma_start3A_256, %mul3A_32] : memref<200x64x1024xf32, #tpu.memory_space<hbm>> -> memref<1x64x128xf32, #tpu.memory_space<hbm>>
      %dma_start3A_258 = tpu.memref_squeeze %dma_start3A_257 : memref<1x64x128xf32, #tpu.memory_space<hbm>> -> memref<64x128xf32, #tpu.memory_space<hbm>>
      tpu.enqueue_dma source(%arg13 : memref<64x128xf32, #tpu.memory_space<vmem>>) target(%dma_start3A_258 : memref<64x128xf32, #tpu.memory_space<hbm>>) target_semaphore(%arg18 : memref<!tpu.dma_semaphore, #tpu.memory_space<semaphore_mem>>)
    }
    %scan3A_89 = arith.constant 25 : i32
    %dma_wait3A_90 = arith.constant 0 : i32
    %dma_wait3A_91 = arith.constant 0 : i32
    %dma_wait3A_92 = tpu.memref_slice %arg6[%dma_wait3A_90, %dma_wait3A_91, %mul3A_32] : memref<200x64x1024xf32, #tpu.memory_space<hbm>> -> memref<1x64x128xf32, #tpu.memory_space<hbm>>
    %dma_wait3A_93 = tpu.memref_squeeze %dma_wait3A_92 : memref<1x64x128xf32, #tpu.memory_space<hbm>> -> memref<64x128xf32, #tpu.memory_space<hbm>>
    %dma_wait3A_94 = arith.constant 0 : i32
    %dma_wait3A_95 = tpu.memref_slice %arg6[%dma_wait3A_90, %dma_wait3A_94, %mul3A_32] : memref<200x64x1024xf32, #tpu.memory_space<hbm>> -> memref<1x64x128xf32, #tpu.memory_space<hbm>>
    %dma_wait3A_96 = tpu.memref_squeeze %dma_wait3A_95 : memref<1x64x128xf32, #tpu.memory_space<hbm>> -> memref<64x128xf32, #tpu.memory_space<hbm>>
    tpu.wait_dma2 semaphore(%arg17 : memref<!tpu.dma_semaphore, #tpu.memory_space<semaphore_mem>>) src(%arg12 : memref<64x128xf32, #tpu.memory_space<vmem>>) dst(%dma_wait3A_96 : memref<64x128xf32, #tpu.memory_space<hbm>>)
    %dma_wait3A_97 = arith.constant 0 : i32
    %dma_wait3A_98 = arith.constant 0 : i32
    %dma_wait3A_99 = tpu.memref_slice %arg6[%dma_wait3A_97, %dma_wait3A_98, %mul3A_32] : memref<200x64x1024xf32, #tpu.memory_space<hbm>> -> memref<1x64x128xf32, #tpu.memory_space<hbm>>
    %dma_wait3A_100 = tpu.memref_squeeze %dma_wait3A_99 : memref<1x64x128xf32, #tpu.memory_space<hbm>> -> memref<64x128xf32, #tpu.memory_space<hbm>>
    %dma_wait3A_101 = arith.constant 0 : i32
    %dma_wait3A_102 = tpu.memref_slice %arg6[%dma_wait3A_97, %dma_wait3A_101, %mul3A_32] : memref<200x64x1024xf32, #tpu.memory_space<hbm>> -> memref<1x64x128xf32, #tpu.memory_space<hbm>>
    %dma_wait3A_103 = tpu.memref_squeeze %dma_wait3A_102 : memref<1x64x128xf32, #tpu.memory_space<hbm>> -> memref<64x128xf32, #tpu.memory_space<hbm>>
    tpu.wait_dma2 semaphore(%arg18 : memref<!tpu.dma_semaphore, #tpu.memory_space<semaphore_mem>>) src(%arg13 : memref<64x128xf32, #tpu.memory_space<vmem>>) dst(%dma_wait3A_103 : memref<64x128xf32, #tpu.memory_space<hbm>>)
    return
  }
}

</mosaic_0001>

<sc_bundles>
// kernel: kernel.3.cloned.1.call-start
scs
__scs_entry_jumppad:
0x0: {  	(pc) =	sbr.rel $0x88, $3  }
0x1: {  	(tag) =	ssettag $0x0;
	lr =	simm.s32 $0x1  }
0x2: {  	[smem:$0x3F9F] =	sst lr;
	_ =	strace $0xD0000000  }
0x3: {  	_ = 	snop  }
0x4: {  	_ = 	snop  }
0x5: {  	_ = 	snop  }
0x6: {  	_ = 	snop  }
0x7: {  	_ = 	snop  }
__scs_overlays_trampoline_lowered:
0x8: {  	[smem:$0x3FAE] =	sst s0  }
0x9: {  	[smem:$0x3FAF] =	sst s1  }
0xa: {  	[smem:$0x3FB0] =	sst s2  }
0xb: {  	[smem:$0x3FB1] =	sst s3  }
0xc: {  	[smem:$0x3FB2] =	sst s4  }
0xd: {  	[smem:$0x3FB3] =	sst s5  }
0xe: {  	[smem:$0x3FB4] =	sst s6  }
0xf: {  	[smem:$0x3FB5] =	sst s7  }
0x10: {  	[smem:$0x3FB6] =	sst s8  }
0x11: {  	[smem:$0x3FB7] =	sst s9;
	s0 =	simm.s32 @!p0 $0x0  }
0x12: {  	s1 =	sld [smem:$0x3F9D];
	s0 =	simm.s32 @p0 $0x1  }
0x13: {  	[smem:$0x3FB8] =	sst s0;
	s0 =	simm.s32 @!p1 $0x0  }
0x14: {  	s2 =	sld [smem:$0x3F9C];
	s0 =	simm.s32 @p1 $0x1  }
0x15: {  	[smem:$0x3FB9] =	sst s0;
	s0 =	simm.s32 @!p2 $0x0  }
0x16: {  	s3 =	sld [smem:$0x3FDB];
	s0 =	simm.s32 @p2 $0x1  }
0x17: {  	s4 =	simm.s32 $0x1BF5;
	[smem:$0x3FBB] =	sst s0  }
0x18: {  	s0 =	sld [smem:$0x3F9E];
	_ =	swait.ge [sflag:s4], $0x0  }
0x19: {  	s7 =	sld [smem:$0x3F9F]  }
0x1a: {  	s8 =	sadd.s32 $0xFFFFE003, lr  }
0x1b: {  	s9 =	sadd.s32 $0xFFFFFEF7, lr;
	s5 =	simm.s32 $0xFFFFFFFF;
	p2 =	slt.u32 s8, $0xFFFFF086  }
0x1c: {  	p1 =	slt.u32 s9, $0xF7A;
	s5 =	simm.s32 @!p2 $0x0  }
0x1d: {  	s5 =	simm.s32 @p1 $0x1;
	p0 =	seq.s32 s7, s2  }
0x1e: {  	s7 =	smul.u32 @!p0 $0xF7A, s2;
	p2 =	seq.s32 @!p0 s5, $0x0  }
0x1f: {  	s9 =	smul.u32 $0xF7A, s1;
	s8 =	simm.s32 @!p0 $0x1BF5;
	p2 =	por !p2, p0  }
0x20: {  	[sflag:s8] =	ssyncset.s32 @!p0 $0xFFFFF086;
	s6 =	sadd.s32 @!p0 s3, s7;
	s7 =	simm.s32 @!p0 $0x108  }
0x21: {  	s3 =	sadd.s32 s3, s9;
	s6 =	sadd.s32 @!p0 $0x88, s6;
	s7 =	simm.s32 @p2 $0x1082  }
0x22: {  	[simem:s7], [sflag:s8] =	dma.local @!p0 [hbm:s6], $0xF7A  }
0x23: {  	s9 =	sor.u32 $0xD0000000, s2;
	s6 =	simm.s32 $0x108;
	_ =	swait.ge @!p0 [sflag:s8], $0x0  }
0x24: {  	s3 =	sadd.s32 $0x88, s3;
	s6 =	simm.s32 @!p1 $0x1082;
	[sflag:s4] =	ssyncset.s32 $0xFFFFF086  }
0x25: {  	[simem:s6], [sflag:s4] =	dma.local [hbm:s3], $0xF7A  }
0x26: {  	[smem:$0x3F9F] =	sst s1;
	(tag) =	ssettag s2;
	_ =	strace s9  }
0x27: {  	s1 =	sld [smem:$0x3FAF]  }
0x28: {  	s2 =	sld [smem:$0x3FB0]  }
0x29: {  	s4 =	sld [smem:$0x3FB2]  }
0x2a: {  	p0 =	seq.s32 s5, $0x0;
	s5 =	sld [smem:$0x3FB3]  }
0x2b: {  	s6 =	sld [smem:$0x3FB4]  }
0x2c: {  	s7 =	sld [smem:$0x3FB5]  }
0x2d: {  	s3 =	simm.s32 $0x108;
	s8 =	sld [smem:$0x3FB6]  }
0x2e: {  	s3 =	simm.s32 @!p0 $0x1082;
	s9 =	sld [smem:$0x3FB7]  }
0x2f: {  	lr =	sadd.s32 s0, s3;
	s0 =	sld [smem:$0x3FAE]  }
0x30: {  	s3 =	sld [smem:$0x3FB1]  }
0x31: {  	[smem:$0x3FBA] =	sst s10  }
0x32: {  	s10 =	sld [smem:$0x3FB8];
	_ =	sdelay $0x3  }
0x33: {  	p0 =	seq.s32 s10, $0x1;
	s10 =	sld [smem:$0x3FBA];
	_ =	sdelay $0x3  }
0x34: {  	[smem:$0x3FBA] =	sst s10  }
0x35: {  	s10 =	sld [smem:$0x3FB9];
	_ =	sdelay $0x3  }
0x36: {  	p1 =	seq.s32 s10, $0x1;
	s10 =	sld [smem:$0x3FBA];
	_ =	sdelay $0x3  }
0x37: {  	[smem:$0x3FBA] =	sst s10  }
0x38: {  	s10 =	sld [smem:$0x3FBB]  }
0x39: {  	_ = 	snop;
	(pc) =	sbr.ind lr, $3  }
0x3a: {  	_ = 	snop  }
0x3b: {  	_ = 	snop  }
0x3c: {  	p2 =	seq.s32 s10, $0x1;
	s10 =	sld [smem:$0x3FBA]  }
0x3d: {  	_ =	shalt  }
0x3e: {  	_ =	shalt  }
0x3f: {  	_ =	shalt  }
0x40: {  	_ =	shalt  }
0x41: {  	_ =	shalt  }
0x42: {  	_ =	shalt  }
0x43: {  	_ =	shalt  }
0x44: {  	_ =	shalt  }
0x45: {  	_ =	shalt  }
0x46: {  	_ =	shalt  }
0x47: {  	_ =	shalt  }
0x48: {  	_ =	shalt  }
0x49: {  	_ =	shalt  }
0x4a: {  	_ =	shalt  }
0x4b: {  	_ =	shalt  }
0x4c: {  	_ =	shalt  }
0x4d: {  	_ =	shalt  }
0x4e: {  	_ =	shalt  }
0x4f: {  	_ =	shalt  }
0x50: {  	_ =	shalt  }
0x51: {  	_ =	shalt  }
0x52: {  	_ =	shalt  }
0x53: {  	_ =	shalt  }
0x54: {  	_ =	shalt  }
0x55: {  	_ =	shalt  }
0x56: {  	_ =	shalt  }
0x57: {  	_ =	shalt  }
0x58: {  	_ =	shalt  }
0x59: {  	_ =	shalt  }
0x5a: {  	_ =	shalt  }
0x5b: {  	_ =	shalt  }
0x5c: {  	_ =	shalt  }
0x5d: {  	_ =	shalt  }
0x5e: {  	_ =	shalt  }
0x5f: {  	_ =	shalt  }
0x60: {  	_ =	shalt  }
0x61: {  	_ =	shalt  }
0x62: {  	_ =	shalt  }
0x63: {  	_ =	shalt  }
0x64: {  	_ =	shalt  }
0x65: {  	_ =	shalt  }
0x66: {  	_ =	shalt  }
0x67: {  	_ =	shalt  }
0x68: {  	_ =	shalt  }
0x69: {  	_ =	shalt  }
0x6a: {  	_ =	shalt  }
0x6b: {  	_ =	shalt  }
0x6c: {  	_ =	shalt  }
0x6d: {  	_ =	shalt  }
0x6e: {  	_ =	shalt  }
0x6f: {  	_ =	shalt  }
0x70: {  	_ =	shalt  }
0x71: {  	_ =	shalt  }
0x72: {  	_ =	shalt  }
0x73: {  	_ =	shalt  }
0x74: {  	_ =	shalt  }
0x75: {  	_ =	shalt  }
0x76: {  	_ =	shalt  }
0x77: {  	_ =	shalt  }
0x78: {  	_ =	shalt  }
0x79: {  	_ =	shalt  }
0x7a: {  	_ =	shalt  }
0x7b: {  	_ =	shalt  }
0x7c: {  	_ =	shalt  }
0x7d: {  	_ =	shalt  }
0x7e: {  	_ =	shalt  }
0x7f: {  	_ =	shalt  }
0x80: {  	_ =	shalt  }
0x81: {  	_ =	shalt  }
0x82: {  	_ =	shalt  }
0x83: {  	_ =	shalt  }
0x84: {  	_ =	shalt  }
0x85: {  	_ =	shalt  }
0x86: {  	_ =	shalt  }
0x87: {  	_ =	shalt  }
.Lfunc_end0:
.L_simem_size_0:
called_computation_lowered:
.L_overlay_start_0:
0x88: {  	s2 =	sld [smem:$0x3FD9]  }
0x89: {  	s3 =	sld [smem:$0x3FFE];
	_ =	sdelay $0x1  }
0x8a: {  	s1 =	srdreg.scid  }
0x8b: {  	s0 =	sand.u32 $0x1, s1  }
0x8c: {  	s17 =	sshll.u32 s0, $0xA;
	s2 =	sadd.s32 s3, s2  }
0x8d: {  	s2 =	sadd.s32 s2, s17  }
0x8e: {  	[smem:$0x3FC6] =	sst s2  }
0x8f: {  	_ = 	snop  }
0x90: {  	s2 =	sld [smem:$0x3FD0];
	(tm) =	ssettm $0x1  }
0x91: {  	s18 =	sld [smem:$0x3FFB];
	_ =	sdelay $0x3  }
0x92: {  	_ =	strace s18  }
0x93: {  	s3 =	sld [smem:$0x3FFC];
	_ =	sdelay $0x3  }
0x94: {  	_ =	strace s3  }
0x95: {  	s3 =	sld [smem:$0x3FFD];
	_ =	sdelay $0x3  }
0x96: {  	_ =	strace s3  }
0x97: {  	_ =	strace $0x8FFFFFFF  }
0x98: {  	s19 =	sld [smem:$0x3FDB];
	_ =	sdelay $0x1  }
0x99: {  	s4 =	simm.s32 $_scs_section_size  }
0x9a: {  	s5 =	simm.s32 $_size__tile_overlayer_lowered;
	s6 =	simm.s32 $_tile_overlayer_lowered  }
0x9b: {  	s22 =	simm.s32 $0x1BFF;
	s21 =	sshll.u32 s6, $0x1;
	s3 =	sadd.s32 s4, s19  }
0x9c: {  	s7 =	simm.s32 $0x0;
	s20 =	sshll.u32 s5, $0x1;
	s5 =	sadd.s32 s21, s3  }
0x9d: {  	[timem:s7], [sflag:s22] =	dma.local [hbm:s5], s20  }
0x9e: {  	_ =	swait.ge [sflag:s22], s20  }
0x9f: {  	s4 =	ssub.s32 $0x0, s20;
	[sflag:s22] =	ssyncset.done $0x0  }
0xa0: {  	[sflag:s22] =	ssyncadd.s32 s4;
	_ =	sdelay $0x1  }
0xa1: {  	s23 =	simm.s32 $0x1B8B  }
0xa2: {  	_ =	swait.ge [sflag:s23], $0x1  }
0xa3: {  	[sflag:s23] =	ssyncset.done $0x0  }
0xa4: {  	s25 =	simm.s32 $0x1B8E;
	s24 =	sld [smem:$0x3FFE];
	[sflag:s23] =	ssyncadd.s32 $0xFFFFFFFF  }
0xa5: {  	s26 =	simm.s32 $execute0_lowered;
	[smem:$0x3FD2] =	sst s25  }
0xa6: {  	s5 =	sshll.u32 s26, $0x1;
	_ =	strace $0x80000046;
	[dreg:$0x1] =	wrdreg $0xFFFFFFFF  }
0xa7: {  	s28 =	simm.s32 $_size_execute0_lowered;
	s3 =	sadd.s32 s3, s5;
	[dreg:$0x0] =	wrdreg $0x0  }
0xa8: {  	s5 =	sshll.u32 s28, $0x1;
	[dreg:$0x2] =	wrdreg s3  }
0xa9: {  	[dreg:$0x3] =	wrdreg s5  }
0xaa: {  	[dreg:$0x4] =	wrdreg $0xC0  }
0xab: {  	_ =	task [dreg:s7], $0x5FFFF  }
0xac: {  	[dreg:$0x1] =	wrdreg $0xFFFFFFFF  }
0xad: {  	[dreg:$0x0] =	wrdreg $0x60  }
0xae: {  	[dreg:$0x2] =	wrdreg s24  }
0xaf: {  	[dreg:$0x3] =	wrdreg s2  }
0xb0: {  	[dreg:$0x4] =	wrdreg $0x9  }
0xb1: {  	_ =	task.clear_ibuf [dreg:s7], $0x5FFFF;
	_ =	strace $0x90000046  }
0xb2: {  	s29 =	simm.s32 $0x9;
	_ =	strace $0x80000048  }
0xb3: {  	_ =	swait.ge [sflag:s29], $0x1  }
0xb4: {  	[sflag:s29] =	ssyncadd.s32 $0xFFFFFFFF  }
0xb5: {  	_ =	strace $0x90000048  }
0xb6: {  	_ =	sfence  }
0xb7: {  	s30 =	sld [smem:$0x0];
	_ =	sdelay $0x2  }
0xb8: {  	s31 =	sshll.u32 s1, $0xD;
	s1 =	sshrl.u32 s1, $0x2  }
0xb9: {  	s3 =	sand.u32 $0x4000, s31;
	s1 =	sadd.s32 s1, s30  }
0xba: {  	s0 =	sor.u32 s3, s0;
	s1 =	sshll.u32 s1, $0x11  }
0xbb: {  	s0 =	sor.u32 s1, s0  }
0xbc: {  	s0 =	sadd.s32 $0x8F2B, s0  }
0xbd: {  	[sflag:s0] =	ssyncadd.remote.s32 $0x1  }
0xbe: {  	_ =	sfence.sel $0xFFFF  }
0xbf: {  	[dreg:$0x0] =	wrdreg $0xFFFFFFFF;
	(pc) =	sbr.abs _section_cstart, $3  }
0xc0: {  	[dreg:$0x1] =	wrdreg $0xFFFFFFFF  }
0xc1: {  	_ =	task.clear_ibuf [dreg:s7], $0x2FFFF;
	_ =	strace $0x9FFFFFFF  }
0xc2: {  	(tm) =	ssettm $0x7FFFFFFF  }
0xc3: {  	_ =	shalt  }
tec
execute0_lowered:
.L_overlay_start_1:
0x0: {  	(tag) =	ssettag $0x1  }
0x1: {  	s4 =	stileid.u32  }
0x2: {  	s0 =	rddreg [dreg:$0x0];
	s1 =	srdreg.scid  }
0x3: {  	s24 =	simm.s32 $0x0;
	s13 =	simm.s32 $0x400;
	s2 =	sshll.u32 s4, $0x1  }
0x4: {  	s1 =	sand.u32 $0x1, s1;
	s6 =	sshrl.u32 s4, $0x2;
	s3 =	sand.u32 $0x6, s2  }
0x5: {  	s14 =	simm.s32 $0x2000;
	s5 =	smul.u32 $0xE000, s6;
	s3 =	sor.u32 s1, s3  }
0x6: {  	[smem:$0x7FF] =	sst s24;
	s1 =	ssub.s32 $0x2, s1;
	s4 =	sshll.u32 s3, $0xA  }
0x7: {  	s7 =	sshrl.u32 s1, $0x1;
	s3 =	sor.u32 s5, s4;
	s5 =	sshrl.u32 s5, $0x3  }
0x8: {  	_ =	strace $0x80000047;
	s25 =	ssub.s32 s1, s7;
	s8 =	sadd.s32 s5, s0  }
0x9: {  	s3 =	sshrl.u32 s3, $0x3;
	s5 =	sadd.s32 $0xF50C00, s0;
	s31 =	sadd.s32 $0xE800, s8  }
0xa: {  	v0 =	vlaneseq.u32;
	s3 =	sadd.s32 s3, s0;
	s0 =	smax.u32 s25, $0x1;
	[dreg:$0x7] =	wrdreg s31  }
0xb: {  	s21 =	simm.s32 $0x11800;
	v0 =	vmul.u32 $0x80, v0;
	s26 =	sadd.s32 $0x7800, s3;
	[dreg:$0x8] =	wrdreg s0  }
0xc: {  	s22 =	simm.s32 $0x15800;
	s28 =	sadd.s32 $0x9000, s3;
	[dreg:$0x3] =	wrdreg s26  }
0xd: {  	s23 =	simm.s32 $0x2;
	v1 =	vor.u32 $0x800, v0;
	s29 =	sadd.s32 $0x800, s3;
	[dreg:$0x4] =	wrdreg s28  }
0xe: {  	s11 =	smul.u32 $0x32, s6;
	v2 =	vor.u32 $0x1000, v0;
	v3 =	vor.u32 $0x1800, v0;
	v4 =	vor.u32 $0x2000, v0;
	s30 =	sadd.s32 $0x2000, s3;
	[dreg:$0x5] =	wrdreg s29  }
0xf: {  	s2 =	simm.s32 $0x0;
	v5 =	vor.u32 $0x2800, v0;
	v6 =	vor.u32 $0x3000, v0;
	v7 =	vor.u32 $0x3800, v0;
	s25 =	simm.s32 $0x3;
	[dreg:$0x6] =	wrdreg s30  }
.LBB2_1:
0x10: {  	[dreg:$0x9] =	wrdreg s2  }
0x11: {  	s0 =	simm.s32 $0x0;
	s1 =	rddreg [dreg:$0x3]  }
0x12: {  	[tilespmem:s0], [sflag:$0x1] =	stream.strided.gather [hbm4b:s1+s13], $0x1800, s14, s13, $0x38;
	[tilespmem:$0x1D800] =	vst v63  }
0x13: {  	s16 =	rddreg [dreg:$0x4];
	s17 =	simm.s32 $0x1800  }
0x14: {  	[tilespmem:s17], [sflag:$0x1] =	stream.linear.gather [hbm4b:s16+s0], $0x100, $0x38;
	[tilespmem:$0x1D800] =	vst v63  }
0x15: {  	s18 =	rddreg [dreg:$0x5];
	s19 =	simm.s32 $0x1C00  }
0x16: {  	[tilespmem:s19], [sflag:$0x1] =	stream.strided.gather [hbm4b:s18+s13], $0x1800, s14, s13, $0x38;
	[tilespmem:$0x1D800] =	vst v63  }
0x17: {  	s20 =	rddreg [dreg:$0x6];
	s24 =	simm.s32 $0x3400  }
0x18: {  	[tilespmem:s24], [sflag:$0x1] =	stream.linear.gather [hbm4b:s20+s0], $0x100, $0x38;
	[tilespmem:$0x1D800] =	vst v63  }
0x19: {  	s26 =	rddreg [dreg:$0x7];
	s28 =	simm.s32 $0x3800;
	s29 =	simm.s32 $0x1  }
0x1a: {  	[tilespmem:s28], [sflag:$0x1] =	stream.linear.gather [hbm4b:s26+s0], $0xE000, $0x38;
	[tilespmem:$0x1D800] =	vst v63  }
0x1b: {  	_ =	swait.ge [sflag:s29], $0x1900  }
0x1c: {  	[sflag:s29] =	ssyncset.done $0x0  }
0x1d: {  	[sflag:s29] =	ssyncadd.s32 $0xFFFFE700  }
0x1e: {  	_ =	swait.ge [sflag:s29], $0x1900  }
0x1f: {  	[sflag:s29] =	ssyncset.done $0x0  }
0x20: {  	[sflag:s29] =	ssyncadd.s32 $0xFFFFE700  }
0x21: {  	_ =	swait.ge [sflag:s29], $0xE000  }
0x22: {  	[sflag:s29] =	ssyncset.done $0x0  }
0x23: {  	s30 =	simm.s32 $0x80;
	[sflag:s29] =	ssyncadd.s32 $0xFFFF2000  }
0x24: {  	[tilespmem:s21], [sflag:$0x2] =	stream.indirect.gather [hbm4b:s5+s30], $0x80, s0, s30, $0xb8;
	[tilespmem:$0x1D800] =	vst v63  }
0x25: {  	s31 =	simm.s32 $0x0  }
0x26: {  	[tilespmem:s22], [sflag:$0x3] =	stream.indirect.gather [hbm4b:s5+s30], $0x80, s30, s30, $0xb8;
	[tilespmem:$0x1D800] =	vst v63  }
.LBB2_2:
0x27: {  	_ =	swait.ge [sflag:s23], $0x4000  }
0x28: {  	p0 =	seq.s32 s31, $0x0;
	[sflag:s23] =	ssyncset.done $0x0  }
0x29: {  	s0 =	simm.s32 @!p0 $0x4;
	[sflag:s23] =	ssyncadd.s32 $0xFFFFC000  }
0x2a: {  	_ =	swait.ge @!p0 [sflag:s0], $0x2000  }
0x2b: {  	[sflag:s0] =	ssyncset.done @!p0 $0x0  }
0x2c: {  	s6 =	sshll.u32 s31, $0x8;
	[sflag:s0] =	ssyncadd.s32 @!p0 $0xFFFFE000  }
0x2d: {  	v24 =	vld [tilespmem:s6+$0x1C00];
	_ =	sdelay $0x3  }
0x2e: {  	s1 =	simm.s32 $0x0;
	s15 =	sand.u32 $0x300, s6  }
0x2f: {  	s12 =	simm.s32 $0x3;
	s7 =	sshll.u32 s31, $0xB;
	v23 =	vmov s15;
	v8 =	vadd.s32 s1, v24  }
0x30: {  	s3 =	simm.s32 $0x1;
	s16 =	sand.u32 $0xE000, s7;
	v22 =	vld [tilespmem:s6+$0x1C10];
	v9 =	vadd.s32 s12, v24;
	v8 =	vadd.s32 v0, v8  }
0x31: {  	s8 =	simm.s32 $0x30;
	s17 =	sand.u32 $0x1C00, s1;
	s0 =	sadd.s32 $0x3800, s16;
	v16 =	vld [tilespmem:s6+$0x1C20];
	v12 =	vadd.s32 v0, v9;
	v9 =	vadd.s32 s3, v24  }
0x32: {  	s8 =	sand.u32 $0x70, s8;
	v13 =	vld [tilespmem:s6+$0x1C30];
	s7 =	sadd.s32 s17, s0;
	v14 =	vadd.s32 v0, v9  }
0x33: {  	v11 =	vld [tilespmem:s6+$0x1C40];
	s8 =	sadd.s32 s8, s7  }
0x34: {  	v21 =	vld.idx.msk [tilespmem:v23+s8+$0x0 ss:$0x1], $0xffff  }
0x35: {  	s10 =	simm.s32 $0x2;
	v17 =	vld.idx.msk [tilespmem:v8+s21+$0x0], $0xffff  }
0x36: {  	s18 =	simm.s32 $0x10;
	s9 =	sand.u32 $0x40, s1;
	v15 =	vadd.s32 s10, v24;
	v8 =	vld.idx.msk [tilespmem:v12+s21+$0x0], $0xffff  }
0x37: {  	s9 =	sadd.s32 s9, s7;
	s8 =	sand.u32 $0x50, s18;
	v15 =	vadd.s32 v0, v15;
	v12 =	vld.idx.msk [tilespmem:v14+s21+$0x0], $0xffff  }
0x38: {  	s15 =	simm.s32 $0x20;
	s8 =	sadd.s32 s8, s7;
	v14 =	vld.idx.msk [tilespmem:v23+s9+$0x0 ss:$0x1], $0xffff  }
0x39: {  	s15 =	sand.u32 $0x60, s15;
	v19 =	vld.idx.msk [tilespmem:v23+s8+$0x0 ss:$0x1], $0xffff  }
0x3a: {  	v10 =	vld [tilespmem:s6+$0x1C50];
	s7 =	sadd.s32 s15, s7;
	v18 =	vadd.s32 s12, v22  }
0x3b: {  	v20 =	vld.idx.msk [tilespmem:v23+s7+$0x0 ss:$0x1], $0xffff;
	v27 =	vadd.s32 s3, v22;
	v18 =	vadd.s32 v1, v18  }
0x3c: {  	v25 =	vadd.s32 s1, v22;
	v27 =	vadd.s32 v1, v27;
	v15 =	vld.idx.msk [tilespmem:v15+s21+$0x0], $0xffff;
	v26 =	vadd.f32 v8, v21  }
0x3d: {  	s7 =	simm.s32 $0x19900;
	v25 =	vadd.s32 v1, v25;
	v9 =	vld [tilespmem:s6+$0x1C60];
	v17 =	vadd.f32 v17, v14  }
0x3e: {  	v28 =	vadd.s32 s10, v22;
	v8 =	vld [tilespmem:s6+$0x1C70];
	v12 =	vadd.f32 v12, v19;
	[tilespmem:s7+$0x80] =	vst v26  }
0x3f: {  	v26 =	vadd.s32 v1, v28;
	[tilespmem:s7+$0xFFFFFF00] =	vst v17  }
0x40: {  	v18 =	vld.idx.msk [tilespmem:v18+s21+$0x0], $0xffff;
	v17 =	vadd.s32 s12, v16;
	[tilespmem:s7+$0xFFFFFF80] =	vst v12  }
0x41: {  	v15 =	vadd.f32 v15, v20;
	v12 =	vadd.s32 v2, v17;
	v17 =	vld.idx.msk [tilespmem:v27+s21+$0x0], $0xffff  }
0x42: {  	v25 =	vld.idx.msk [tilespmem:v25+s21+$0x0], $0xffff  }
0x43: {  	[tilespmem:s7+$0x0] =	vst v15  }
0x44: {  	v15 =	vld.idx.msk [tilespmem:v26+s21+$0x0], $0xffff;
	v26 =	vadd.s32 s1, v16  }
0x45: {  	v27 =	vadd.s32 s3, v16;
	v18 =	vadd.f32 v18, v21;
	v26 =	vadd.s32 v2, v26  }
0x46: {  	v27 =	vadd.s32 v2, v27;
	v17 =	vadd.f32 v17, v19  }
0x47: {  	v28 =	vadd.s32 s10, v16;
	[tilespmem:s7+$0x90] =	vst v18;
	v18 =	vadd.f32 v25, v14  }
0x48: {  	s16 =	simm.s32 $0x5;
	v25 =	vadd.s32 v2, v28;
	v12 =	vld.idx.msk [tilespmem:v12+s21+$0x0], $0xffff;
	[tilespmem:s7+$0xFFFFFF90] =	vst v17  }
0x49: {  	v29 =	vadd.s32 s16, v24;
	[tilespmem:s7+$0xFFFFFF10] =	vst v18;
	v18 =	vadd.s32 s12, v13  }
0x4a: {  	s15 =	simm.s32 $0x4;
	v15 =	vadd.f32 v15, v20;
	v26 =	vld.idx.msk [tilespmem:v26+s21+$0x0], $0xffff;
	v17 =	vadd.s32 v3, v18;
	v18 =	vadd.s32 v0, v29  }
0x4b: {  	s17 =	simm.s32 $0x6;
	v28 =	vadd.s32 s15, v24;
	v27 =	vld.idx.msk [tilespmem:v27+s21+$0x0], $0xffff  }
0x4c: {  	v28 =	vadd.s32 v0, v28;
	v29 =	vadd.s32 s17, v24;
	[tilespmem:s7+$0x10] =	vst v15  }
0x4d: {  	v30 =	vadd.s32 s3, v13;
	v15 =	vadd.s32 v0, v29;
	v25 =	vld.idx.msk [tilespmem:v25+s21+$0x0], $0xffff;
	v12 =	vadd.f32 v12, v21  }
0x4e: {  	v30 =	vadd.s32 v3, v30;
	v29 =	vadd.s32 s1, v13  }
0x4f: {  	s20 =	simm.s32 $0x7;
	v31 =	vadd.s32 s10, v13;
	v29 =	vadd.s32 v3, v29;
	[tilespmem:s7+$0xA0] =	vst v12;
	v12 =	vadd.f32 v26, v14;
	v32 =	vld.idx.msk [tilespmem:v18+s21+$0x0], $0xffff  }
0x50: {  	v26 =	vadd.s32 v3, v31;
	v31 =	vadd.s32 s20, v24;
	v18 =	vadd.f32 v27, v19;
	v17 =	vld.idx.msk [tilespmem:v17+s21+$0x0], $0xffff  }
0x51: {  	v28 =	vld.idx.msk [tilespmem:v28+s21+$0x0], $0xffff;
	v27 =	vadd.s32 v0, v31;
	[tilespmem:s7+$0xFFFFFF20] =	vst v12  }
0x52: {  	v31 =	vld.idx.msk [tilespmem:v15+s21+$0x0], $0xffff;
	v15 =	vadd.s32 s12, v11;
	v12 =	vadd.f32 v25, v20;
	[tilespmem:s7+$0xFFFFFFA0] =	vst v18  }
0x53: {  	s28 =	simm.s32 $0x200;
	v15 =	vadd.s32 v4, v15;
	v18 =	vld.idx.msk [tilespmem:v30+s21+$0x0], $0xffff  }
0x54: {  	s24 =	simm.s32 $0x70;
	s19 =	sand.u32 $0x1C00, s28;
	v25 =	vld.idx.msk [tilespmem:v29+s21+$0x0], $0xffff;
	[tilespmem:s7+$0x20] =	vst v12  }
0x55: {  	s8 =	sand.u32 $0x70, s24;
	s6 =	sadd.s32 s19, s0;
	v26 =	vld.idx.msk [tilespmem:v26+s21+$0x0], $0xffff;
	v12 =	vadd.f32 v17, v21  }
0x56: {  	s26 =	simm.s32 $0x50;
	s8 =	sadd.s32 s8, s6;
	v30 =	vadd.s32 s1, v11;
	v27 =	vld.idx.msk [tilespmem:v27+s21+$0x0], $0xffff;
	v17 =	vadd.s32 s3, v11  }
0x57: {  	s29 =	simm.s32 $0x40;
	s18 =	simm.s32 $0x8;
	s9 =	sand.u32 $0x50, s26;
	v30 =	vadd.s32 v4, v30;
	v29 =	vadd.s32 v4, v17;
	v17 =	vadd.s32 s10, v11;
	[tilespmem:s7+$0xB0] =	vst v12;
	v12 =	vld.idx.msk [tilespmem:v23+s8+$0x0 ss:$0x1], $0xffff  }
0x58: {  	s30 =	simm.s32 $0x60;
	s19 =	sand.u32 $0x40, s29;
	s9 =	sadd.s32 s9, s6;
	v33 =	vadd.s32 v4, v17;
	v17 =	vadd.f32 v18, v19;
	v18 =	vadd.s32 s18, v24;
	v34 =	vld.idx.msk [tilespmem:v15+s21+$0x0], $0xffff  }
0x59: {  	v36 =	vadd.s32 s20, v22;
	s19 =	sadd.s32 s19, s6;
	s8 =	sand.u32 $0x60, s30;
	v25 =	vadd.f32 v25, v14;
	v35 =	vadd.s32 v0, v18;
	v18 =	vld.idx.msk [tilespmem:v23+s9+$0x0 ss:$0x1], $0xffff  }
0x5a: {  	v37 =	vadd.s32 s12, v10;
	v36 =	vadd.s32 v1, v36;
	v15 =	vld.idx.msk [tilespmem:v23+s19+$0x0 ss:$0x1], $0xffff;
	s6 =	sadd.s32 s8, s6;
	v26 =	vadd.f32 v26, v20;
	[tilespmem:s7+$0xFFFFFFB0] =	vst v17  }
0x5b: {  	v37 =	vadd.s32 v5, v37;
	v17 =	vld.idx.msk [tilespmem:v23+s6+$0x0 ss:$0x1], $0xffff;
	[tilespmem:s7+$0xFFFFFF30] =	vst v25;
	v25 =	vadd.s32 s16, v22  }
0x5c: {  	v38 =	vadd.s32 v1, v25;
	v30 =	vld.idx.msk [tilespmem:v30+s21+$0x0], $0xffff;
	[tilespmem:s7+$0x30] =	vst v26;
	v26 =	vadd.s32 s15, v22;
	v27 =	vadd.f32 v27, v12  }
0x5d: {  	s6 =	simm.s32 $0x19B00;
	v29 =	vld.idx.msk [tilespmem:v29+s21+$0x0], $0xffff;
	v26 =	vadd.s32 v1, v26;
	v34 =	vadd.f32 v34, v21  }
0x5e: {  	v39 =	vadd.s32 s17, v22;
	v33 =	vld.idx.msk [tilespmem:v33+s21+$0x0], $0xffff;
	v32 =	vadd.f32 v32, v18;
	[tilespmem:s6+$0x80] =	vst v27  }
0x5f: {  	v63 =	vadd.s32 v1, v39;
	v28 =	vadd.f32 v28, v15;
	v27 =	vadd.s32 s3, v10;
	v36 =	vld.idx.msk [tilespmem:v36+s21+$0x0], $0xffff;
	[tilespmem:s7+$0xC0] =	vst v34  }
0x60: {  	v44 =	vadd.s32 s10, v10;
	v27 =	vadd.s32 v5, v27;
	[tilespmem:s6+$0xFFFFFF80] =	vst v32;
	v37 =	vld.idx.msk [tilespmem:v37+s21+$0x0], $0xffff  }
0x61: {  	v45 =	vadd.s32 v5, v44;
	s8 =	simm.s32 $0x9;
	[tilespmem:s6+$0xFFFFFF00] =	vst v28;
	v28 =	vadd.f32 v31, v17;
	v31 =	vadd.s32 s1, v10;
	v32 =	vld.idx.msk [tilespmem:v38+s21+$0x0], $0xffff  }
0x62: {  	v46 =	vadd.s32 s8, v24;
	v29 =	vadd.f32 v29, v19;
	v40 =	vld.idx.msk [tilespmem:v26+s21+$0x0], $0xffff;
	v26 =	vadd.s32 v5, v31  }
0x63: {  	v25 =	vld.idx.msk [tilespmem:v35+s21+$0x0], $0xffff;
	v31 =	vadd.s32 v0, v46;
	[tilespmem:s6+$0x0] =	vst v28;
	v28 =	vadd.s32 s20, v16;
	v33 =	vadd.f32 v33, v20  }
0x64: {  	v30 =	vadd.f32 v30, v14;
	v35 =	vld.idx.msk [tilespmem:v63+s21+$0x0], $0xffff;
	v28 =	vadd.s32 v2, v28;
	[tilespmem:s7+$0xFFFFFFC0] =	vst v29;
	v29 =	vadd.s32 s12, v9  }
0x65: {  	v49 =	vadd.s32 s16, v16;
	[tilespmem:s7+$0x40] =	vst v33;
	v29 =	vadd.s32 v6, v29;
	v27 =	vld.idx.msk [tilespmem:v27+s21+$0x0], $0xffff;
	v36 =	vadd.f32 v36, v12  }
0x66: {  	v47 =	vadd.s32 s15, v16;
	v50 =	vadd.s32 v2, v49;
	[tilespmem:s7+$0xFFFFFF40] =	vst v30;
	v30 =	vld.idx.msk [tilespmem:v45+s21+$0x0], $0xffff;
	v37 =	vadd.f32 v37, v21  }
0x67: {  	v51 =	vadd.s32 s17, v16;
	v48 =	vadd.s32 v2, v47;
	v32 =	vadd.f32 v32, v18;
	v52 =	vld.idx.msk [tilespmem:v26+s21+$0x0], $0xffff;
	[tilespmem:s6+$0x90] =	vst v36  }
0x68: {  	v53 =	vadd.s32 s3, v9;
	v38 =	vadd.s32 v2, v51;
	v26 =	vld.idx.msk [tilespmem:v31+s21+$0x0], $0xffff;
	v31 =	vadd.f32 v40, v15;
	[tilespmem:s7+$0xD0] =	vst v37  }
0x69: {  	v54 =	vadd.s32 s10, v9;
	s9 =	simm.s32 $0xA;
	v36 =	vadd.s32 v6, v53;
	v28 =	vld.idx.msk [tilespmem:v28+s21+$0x0], $0xffff;
	[tilespmem:s6+$0xFFFFFF90] =	vst v32  }
0x6a: {  	v56 =	vadd.s32 v6, v54;
	v57 =	vadd.s32 s9, v24;
	[tilespmem:s6+$0xFFFFFF10] =	vst v31;
	v31 =	vadd.f32 v35, v17;
	v29 =	vld.idx.msk [tilespmem:v29+s21+$0x0], $0xffff  }
0x6b: {  	v55 =	vadd.s32 s1, v9;
	v59 =	vadd.s32 v0, v57;
	v34 =	vld.idx.msk [tilespmem:v50+s21+$0x0], $0xffff;
	v27 =	vadd.f32 v27, v19  }
0x6c: {  	v58 =	vadd.s32 v6, v55;
	v33 =	vld.idx.msk [tilespmem:v48+s21+$0x0], $0xffff;
	v30 =	vadd.f32 v30, v20;
	[tilespmem:s6+$0x10] =	vst v31;
	v31 =	vadd.s32 s20, v13  }
0x6d: {  	v38 =	vld.idx.msk [tilespmem:v38+s21+$0x0], $0xffff;
	v31 =	vadd.s32 v3, v31;
	[tilespmem:s7+$0xFFFFFFD0] =	vst v27;
	v27 =	vadd.s32 s12, v8  }
0x6e: {  	v60 =	vadd.s32 s15, v13;
	v39 =	vadd.f32 v52, v14;
	[tilespmem:s7+$0x50] =	vst v30;
	v36 =	vld.idx.msk [tilespmem:v36+s21+$0x0], $0xffff;
	v27 =	vadd.s32 v7, v27  }
0x6f: {  	v40 =	vadd.s32 v3, v60;
	v30 =	vadd.s32 s16, v13;
	v28 =	vadd.f32 v28, v12;
	v41 =	vld.idx.msk [tilespmem:v56+s21+$0x0], $0xffff  }
0x70: {  	v42 =	vadd.s32 v3, v30;
	v30 =	vadd.s32 s17, v13;
	[tilespmem:s7+$0xFFFFFF50] =	vst v39;
	v61 =	vadd.f32 v29, v21;
	v29 =	vld.idx.msk [tilespmem:v59+s21+$0x0], $0xffff  }
0x71: {  	v30 =	vadd.s32 v3, v30;
	v37 =	vld.idx.msk [tilespmem:v58+s21+$0x0], $0xffff;
	v33 =	vadd.f32 v33, v15;
	[tilespmem:s6+$0xA0] =	vst v28;
	v28 =	vadd.s32 s3, v8  }
0x72: {  	v62 =	vadd.f32 v34, v18;
	[tilespmem:s7+$0xE0] =	vst v61;
	v34 =	vld.idx.msk [tilespmem:v31+s21+$0x0], $0xffff;
	v31 =	vadd.s32 v7, v28;
	v28 =	vadd.s32 s10, v8  }
0x73: {  	v63 =	vadd.s32 s1, v8;
	s12 =	simm.s32 $0xB;
	[tilespmem:s6+$0xFFFFFF20] =	vst v33;
	v43 =	vadd.f32 v38, v17;
	v32 =	vadd.s32 v7, v28;
	v38 =	vld.idx.msk [tilespmem:v27+s21+$0x0], $0xffff  }
0x74: {  	[tilespmem:s6+$0xFFFFFFA0] =	vst v62;
	v33 =	vadd.s32 v7, v63;
	v27 =	vadd.s32 s12, v24;
	v35 =	vld.idx.msk [tilespmem:v40+s21+$0x0], $0xffff;
	v39 =	vadd.f32 v36, v19  }
0x75: {  	s1 =	sshllo.u32 s31, $0x1;
	s3 =	simm.s32 $0xC;
	s10 =	sshll.u32 s31, $0x1;
	v36 =	vld.idx.msk [tilespmem:v42+s21+$0x0], $0xffff;
	v40 =	vadd.f32 v41, v20;
	v27 =	vadd.s32 v0, v27;
	[tilespmem:s6+$0x20] =	vst v43  }
.LBB2_3:
0x76: {  	p1 =	slt.u32 s3, $0x3C;
	v28 =	vld.idx.msk [tilespmem:v30+s21+$0x0], $0xffff;
	v30 =	vadd.s32 s20, v11;
	v37 =	vadd.f32 v37, v14;
	[tilespmem:s7+$0xFFFFFFE0] =	vst v39  }
0x77: {  	s29 =	sadd.s32 $0x40, s29;
	s28 =	sadd.s32 $0x200, s28;
	v30 =	vadd.s32 v4, v30;
	v31 =	vld.idx.msk [tilespmem:v31+s21+$0x0], $0xffff;
	[tilespmem:s7+$0x60] =	vst v40  }
0x78: {  	s19 =	sand.u32 $0x1C00, s28;
	s30 =	sadd.s32 $0x10, s29;
	s24 =	sadd.s32 $0x30, s29;
	v34 =	vadd.f32 v34, v12;
	[tilespmem:s7+$0xFFFFFF60] =	vst v37;
	v32 =	vld.idx.msk [tilespmem:v32+s21+$0x0], $0xffff  }
0x79: {  	s26 =	sadd.s32 $0x20, s29;
	s19 =	sadd.s32 s19, s0;
	s24 =	sand.u32 $0x70, s24;
	v37 =	vadd.f32 v38, v21;
	v21 =	vmov v12;
	v33 =	vld.idx.msk [tilespmem:v33+s21+$0x0], $0xffff  }
0x7a: {  	s30 =	sand.u32 $0x50, s30;
	s26 =	sand.u32 $0x60, s26;
	v38 =	vadd.s32 s16, v11;
	s24 =	sadd.s32 s24, s19;
	v35 =	vadd.f32 v35, v15;
	v27 =	vld.idx.msk [tilespmem:v27+s21+$0x0], $0xffff;
	[tilespmem:s6+$0xB0] =	vst v34  }
0x7b: {  	s2 =	sand.u32 $0x40, s29;
	s30 =	sadd.s32 s30, s19;
	s26 =	sadd.s32 s26, s19;
	v34 =	vadd.f32 v36, v18;
	v36 =	vadd.s32 v4, v38;
	v38 =	vadd.s32 s17, v11;
	v12 =	vld.idx.msk [tilespmem:v23+s24+$0x0 ss:$0x1], $0xffff;
	[tilespmem:s7+$0xF0] =	vst v37  }
0x7c: {  	s2 =	sadd.s32 s2, s19;
	v28 =	vadd.f32 v28, v17;
	v37 =	vadd.s32 v4, v38;
	[tilespmem:s6+$0xFFFFFF30] =	vst v35;
	v35 =	vadd.s32 s15, v11;
	v30 =	vld.idx.msk [tilespmem:v30+s21+$0x0], $0xffff  }
0x7d: {  	v38 =	vadd.s32 s3, v24;
	v41 =	vadd.f32 v31, v19;
	v39 =	vld.idx.msk [tilespmem:v23+s2+$0x0 ss:$0x1], $0xffff;
	v35 =	vadd.s32 v4, v35;
	[tilespmem:s6+$0xFFFFFFB0] =	vst v34  }
0x7e: {  	v31 =	vadd.s32 v0, v38;
	v38 =	vadd.s32 s12, v22;
	v20 =	vadd.f32 v32, v20;
	v34 =	vld.idx.msk [tilespmem:v23+s30+$0x0 ss:$0x1], $0xffff;
	[tilespmem:s6+$0x30] =	vst v28  }
0x7f: {  	v32 =	vadd.s32 v1, v38;
	v38 =	vadd.s32 s20, v10;
	v33 =	vadd.f32 v33, v14;
	v28 =	vld.idx.msk [tilespmem:v23+s26+$0x0 ss:$0x1], $0xffff;
	[tilespmem:s7+$0xFFFFFFF0] =	vst v41  }
0x80: {  	v40 =	vadd.s32 s18, v22;
	v19 =	vmovc v18;
	v38 =	vadd.s32 v5, v38;
	v14 =	vmov v15;
	v36 =	vld.idx.msk [tilespmem:v36+s21+$0x0], $0xffff;
	[tilespmem:s7+$0x70] =	vst v20  }
0x81: {  	v18 =	vadd.s32 s8, v22;
	v15 =	vadd.s32 v1, v40;
	v27 =	vadd.f32 v27, v12;
	v37 =	vld.idx.msk [tilespmem:v37+s21+$0x0], $0xffff;
	[tilespmem:s7+$0xFFFFFF70] =	vst v33;
	s7 =	smov.u32 s6  }
0x82: {  	v18 =	vadd.s32 v1, v18;
	v33 =	vadd.s32 s9, v22;
	v30 =	vadd.f32 v30, v21;
	s6 =	sadd.s32 $0x200, s6;
	v20 =	vmovc v17;
	v35 =	vld.idx.msk [tilespmem:v35+s21+$0x0], $0xffff  }
0x83: {  	v17 =	vadd.f32 v25, v39;
	v25 =	vld.idx.msk [tilespmem:v31+s21+$0x0], $0xffff;
	v31 =	vadd.s32 v1, v33;
	[tilespmem:s6+$0x80] =	vst v27;
	v27 =	vadd.s32 s16, v10  }
0x84: {  	v26 =	vadd.f32 v26, v34;
	v33 =	vadd.s32 s17, v10;
	v32 =	vld.idx.msk [tilespmem:v32+s21+$0x0], $0xffff;
	v27 =	vadd.s32 v5, v27;
	[tilespmem:s7+$0xC0] =	vst v30  }
0x85: {  	s19 =	sadd.s32 $0x1, s3;
	v30 =	vadd.s32 v5, v33;
	[tilespmem:s6+$0xFFFFFF00] =	vst v17;
	v17 =	vadd.f32 v29, v28;
	v29 =	vadd.s32 s15, v10;
	v33 =	vld.idx.msk [tilespmem:v38+s21+$0x0], $0xffff  }
0x86: {  	v38 =	vadd.s32 s19, v24;
	v44 =	vadd.f32 v36, v19;
	v40 =	vld.idx.msk [tilespmem:v15+s21+$0x0], $0xffff;
	[tilespmem:s6+$0xFFFFFF80] =	vst v26;
	v26 =	vadd.s32 v5, v29  }
0x87: {  	v29 =	vadd.s32 v0, v38;
	v42 =	vadd.f32 v37, v20;
	v36 =	vld.idx.msk [tilespmem:v18+s21+$0x0], $0xffff;
	[tilespmem:s6+$0x0] =	vst v17;
	v17 =	vadd.s32 s12, v16  }
0x88: {  	v41 =	vadd.s32 s20, v9;
	v43 =	vadd.f32 v35, v14;
	v31 =	vld.idx.msk [tilespmem:v31+s21+$0x0], $0xffff;
	v37 =	vadd.s32 v2, v17;
	[tilespmem:s7+$0xFFFFFFC0] =	vst v44  }
0x89: {  	v38 =	vadd.s32 v6, v41;
	v15 =	vmovc v39;
	v35 =	vadd.s32 s18, v16;
	v18 =	vmov v34;
	v27 =	vld.idx.msk [tilespmem:v27+s21+$0x0], $0xffff;
	[tilespmem:s7+$0x40] =	vst v42  }
0x8a: {  	v34 =	vadd.s32 v2, v35;
	v35 =	vadd.s32 s8, v16;
	v32 =	vadd.f32 v32, v12;
	[tilespmem:s7+$0xFFFFFF40] =	vst v43;
	v30 =	vld.idx.msk [tilespmem:v30+s21+$0x0], $0xffff  }
0x8b: {  	v39 =	vadd.s32 s9, v16;
	v35 =	vadd.s32 v2, v35;
	v33 =	vadd.f32 v33, v21;
	v17 =	vmovc v28;
	v41 =	vld.idx.msk [tilespmem:v26+s21+$0x0], $0xffff  }
0x8c: {  	v28 =	vadd.f32 v40, v15;
	v26 =	vld.idx.msk [tilespmem:v29+s21+$0x0], $0xffff;
	v29 =	vadd.s32 v2, v39;
	[tilespmem:s6+$0x90] =	vst v32;
	v32 =	vadd.s32 s16, v9  }
0x8d: {  	v36 =	vadd.f32 v36, v18;
	v39 =	vadd.s32 s17, v9;
	v37 =	vld.idx.msk [tilespmem:v37+s21+$0x0], $0xffff;
	v32 =	vadd.s32 v6, v32;
	[tilespmem:s7+$0xD0] =	vst v33  }
0x8e: {  	s2 =	sadd.s32 $0x2, s3;
	v33 =	vadd.s32 v6, v39;
	[tilespmem:s6+$0xFFFFFF10] =	vst v28;
	v28 =	vadd.f32 v31, v17;
	v31 =	vadd.s32 s15, v9;
	v38 =	vld.idx.msk [tilespmem:v38+s21+$0x0], $0xffff  }
0x8f: {  	v39 =	vadd.s32 s2, v24;
	v27 =	vadd.f32 v27, v19;
	v34 =	vld.idx.msk [tilespmem:v34+s21+$0x0], $0xffff;
	[tilespmem:s6+$0xFFFFFF90] =	vst v36;
	v31 =	vadd.s32 v6, v31  }
0x90: {  	v36 =	vadd.s32 v0, v39;
	v30 =	vadd.f32 v30, v20;
	v35 =	vld.idx.msk [tilespmem:v35+s21+$0x0], $0xffff;
	[tilespmem:s6+$0x10] =	vst v28;
	v28 =	vadd.s32 s12, v13  }
0x91: {  	v39 =	vld.idx.msk [tilespmem:v29+s21+$0x0], $0xffff;
	v28 =	vadd.s32 v3, v28;
	v29 =	vadd.f32 v41, v14;
	[tilespmem:s7+$0xFFFFFFD0] =	vst v27;
	v27 =	vadd.s32 s20, v8;
	s20 =	smov.u32 s12  }
0x92: {  	v40 =	vadd.s32 s18, v13;
	v41 =	vld.idx.msk [tilespmem:v32+s21+$0x0], $0xffff;
	[tilespmem:s7+$0x50] =	vst v30;
	v27 =	vadd.s32 v7, v27  }
0x93: {  	v40 =	vadd.s32 v3, v40;
	v30 =	vadd.s32 s8, v13;
	v32 =	vadd.f32 v37, v12;
	[tilespmem:s7+$0xFFFFFF50] =	vst v29;
	v42 =	vld.idx.msk [tilespmem:v33+s21+$0x0], $0xffff  }
0x94: {  	v43 =	vadd.s32 v3, v30;
	v30 =	vadd.s32 s9, v13;
	v33 =	vadd.f32 v38, v21;
	v37 =	vld.idx.msk [tilespmem:v31+s21+$0x0], $0xffff  }
.Ltmp0:
0x95: {  	v30 =	vadd.s32 v3, v30;
	v31 =	vadd.s32 s16, v8;
	s16 =	smov.u32 s8;
	s8 =	smov.u32 s19;
	v29 =	vld.idx.msk [tilespmem:v36+s21+$0x0], $0xffff;
	v36 =	vadd.f32 v34, v15;
	[tilespmem:s6+$0xA0] =	vst v32;
	(pc) =	sbr.rel @p1 .LBB2_3-.Ltmp0, $4  }
0x96: {  	v44 =	vadd.f32 v35, v18;
	v31 =	vadd.s32 v7, v31;
	v34 =	vld.idx.msk [tilespmem:v28+s21+$0x0], $0xffff;
	v28 =	vadd.s32 s17, v8;
	[tilespmem:s7+$0xE0] =	vst v33;
	s17 =	smov.u32 s9;
	s9 =	smov.u32 s2  }
0x97: {  	s12 =	sadd.s32 $0x3, s3;
	v45 =	vadd.f32 v39, v17;
	v33 =	vadd.s32 s15, v8;
	s15 =	smov.u32 s18;
	s18 =	smov.u32 s3;
	[tilespmem:s6+$0xFFFFFF20] =	vst v36;
	v32 =	vadd.s32 v7, v28;
	v38 =	vld.idx.msk [tilespmem:v27+s21+$0x0], $0xffff  }
0x98: {  	v27 =	vadd.s32 s12, v24;
	v33 =	vadd.s32 v7, v33;
	v39 =	vadd.f32 v41, v19;
	v35 =	vld.idx.msk [tilespmem:v40+s21+$0x0], $0xffff;
	[tilespmem:s6+$0xFFFFFFA0] =	vst v44  }
0x99: {  	s3 =	sadd.s32 $0x4, s3;
	v27 =	vadd.s32 v0, v27;
	v40 =	vadd.f32 v42, v20;
	v36 =	vld.idx.msk [tilespmem:v43+s21+$0x0], $0xffff;
	[tilespmem:s6+$0x20] =	vst v45  }
0x9a: {  	_ = 	snop  }
0x9b: {  	s2 =	sadd.s32 $0x40, s29;
	s3 =	sadd.s32 $0x200, s28  }
0x9c: {  	s3 =	sand.u32 $0x1C00, s3;
	s19 =	sadd.s32 $0x30, s2  }
0x9d: {  	s24 =	sadd.s32 $0x10, s2;
	s3 =	sadd.s32 s3, s0;
	s19 =	sand.u32 $0x70, s19  }
0x9e: {  	v41 =	vld.idx.msk [tilespmem:v27+s21+$0x0], $0xffff;
	s26 =	sadd.s32 $0x20, s2;
	s24 =	sand.u32 $0x50, s24;
	s19 =	sadd.s32 s19, s3  }
0x9f: {  	s26 =	sand.u32 $0x60, s26;
	s24 =	sadd.s32 s24, s3;
	v24 =	vld.idx.msk [tilespmem:v23+s19+$0x0 ss:$0x1], $0xffff  }
0xa0: {  	s2 =	sand.u32 $0x40, s2;
	s26 =	sadd.s32 s26, s3;
	v27 =	vld.idx.msk [tilespmem:v23+s24+$0x0 ss:$0x1], $0xffff  }
0xa1: {  	s2 =	sadd.s32 s2, s3;
	v28 =	vld.idx.msk [tilespmem:v23+s26+$0x0 ss:$0x1], $0xffff  }
0xa2: {  	v42 =	vadd.s32 s12, v22;
	v23 =	vld.idx.msk [tilespmem:v23+s2+$0x0 ss:$0x1], $0xffff  }
0xa3: {  	v43 =	vadd.s32 s8, v22;
	v42 =	vadd.s32 v1, v42  }
0xa4: {  	v44 =	vadd.s32 s9, v22;
	v22 =	vadd.s32 s18, v22;
	v43 =	vadd.s32 v1, v43  }
0xa5: {  	v22 =	vadd.s32 v1, v22;
	v41 =	vadd.f32 v41, v24  }
0xa6: {  	s30 =	sadd.s32 $0x200, s6;
	v44 =	vadd.s32 v1, v44;
	v26 =	vadd.f32 v26, v27  }
0xa7: {  	v25 =	vadd.f32 v25, v23;
	[tilespmem:s30+$0x80] =	vst v41  }
0xa8: {  	v29 =	vadd.f32 v29, v28;
	[tilespmem:s30+$0xFFFFFF80] =	vst v26;
	v26 =	vld.idx.msk [tilespmem:v42+s21+$0x0], $0xffff  }
0xa9: {  	[tilespmem:s30+$0xFFFFFF00] =	vst v25;
	v57 =	vld.idx.msk [tilespmem:v43+s21+$0x0], $0xffff  }
0xaa: {  	v58 =	vadd.s32 s8, v16;
	[tilespmem:s30+$0x0] =	vst v29;
	v25 =	vadd.s32 s12, v16;
	v22 =	vld.idx.msk [tilespmem:v22+s21+$0x0], $0xffff  }
0xab: {  	v37 =	vadd.f32 v37, v14;
	[tilespmem:s7+$0xFFFFFFE0] =	vst v39;
	v60 =	vadd.s32 s9, v16;
	v29 =	vld.idx.msk [tilespmem:v44+s21+$0x0], $0xffff;
	v25 =	vadd.s32 v2, v25  }
0xac: {  	v59 =	vadd.s32 v2, v58;
	[tilespmem:s7+$0x60] =	vst v40;
	v21 =	vadd.f32 v38, v21;
	v16 =	vadd.s32 s18, v16  }
0xad: {  	[tilespmem:s7+$0xFFFFFF60] =	vst v37;
	v16 =	vadd.s32 v2, v16;
	v26 =	vadd.f32 v26, v24  }
0xae: {  	v30 =	vld.idx.msk [tilespmem:v30+s21+$0x0], $0xffff;
	v61 =	vadd.s32 v2, v60;
	[tilespmem:s7+$0xF0] =	vst v21;
	v62 =	vadd.f32 v57, v27  }
0xaf: {  	v22 =	vadd.f32 v22, v23;
	[tilespmem:s30+$0x90] =	vst v26  }
0xb0: {  	v26 =	vadd.f32 v29, v28;
	[tilespmem:s30+$0xFFFFFF90] =	vst v62;
	v25 =	vld.idx.msk [tilespmem:v25+s21+$0x0], $0xffff  }
0xb1: {  	v29 =	vadd.f32 v34, v12;
	[tilespmem:s30+$0xFFFFFF10] =	vst v22;
	v63 =	vld.idx.msk [tilespmem:v59+s21+$0x0], $0xffff  }
0xb2: {  	v35 =	vadd.f32 v35, v15;
	v36 =	vadd.f32 v36, v18;
	v22 =	vadd.s32 s12, v13;
	v16 =	vld.idx.msk [tilespmem:v16+s21+$0x0], $0xffff;
	[tilespmem:s30+$0x10] =	vst v26  }
0xb3: {  	v30 =	vadd.f32 v30, v17;
	v22 =	vadd.s32 v3, v22;
	[tilespmem:s6+$0xB0] =	vst v29;
	v29 =	vadd.s32 s8, v13;
	v26 =	vld.idx.msk [tilespmem:v61+s21+$0x0], $0xffff  }
0xb4: {  	v31 =	vld.idx.msk [tilespmem:v31+s21+$0x0], $0xffff;
	[tilespmem:s6+$0xFFFFFF30] =	vst v35;
	v21 =	vadd.s32 v3, v29;
	v29 =	vadd.s32 s9, v13;
	v13 =	vadd.s32 s18, v13  }
0xb5: {  	v32 =	vld.idx.msk [tilespmem:v32+s21+$0x0], $0xffff;
	[tilespmem:s6+$0xFFFFFFB0] =	vst v36;
	v13 =	vadd.s32 v3, v13;
	v25 =	vadd.f32 v25, v24  }
0xb6: {  	v39 =	vadd.s32 s20, v11;
	v33 =	vld.idx.msk [tilespmem:v33+s21+$0x0], $0xffff;
	[tilespmem:s6+$0x30] =	vst v30;
	v29 =	vadd.s32 v3, v29;
	v34 =	vadd.f32 v63, v27  }
0xb7: {  	v35 =	vadd.s32 v4, v39;
	v41 =	vadd.s32 s17, v11;
	v16 =	vadd.f32 v16, v23;
	[tilespmem:s30+$0xA0] =	vst v25  }
0xb8: {  	v40 =	vadd.s32 s16, v11;
	v36 =	vadd.s32 v4, v41;
	v25 =	vadd.f32 v26, v28;
	[tilespmem:s30+$0xFFFFFFA0] =	vst v34;
	v22 =	vld.idx.msk [tilespmem:v22+s21+$0x0], $0xffff  }
0xb9: {  	v19 =	vadd.f32 v31, v19;
	v42 =	vadd.s32 s15, v11;
	v26 =	vadd.s32 v4, v40;
	[tilespmem:s30+$0xFFFFFF20] =	vst v16;
	v21 =	vld.idx.msk [tilespmem:v21+s21+$0x0], $0xffff  }
0xba: {  	v20 =	vadd.f32 v32, v20;
	v30 =	vadd.s32 s8, v11;
	v13 =	vld.idx.msk [tilespmem:v13+s21+$0x0], $0xffff;
	[tilespmem:s30+$0x20] =	vst v25;
	v25 =	vadd.s32 v4, v42  }
0xbb: {  	v14 =	vadd.f32 v33, v14;
	[tilespmem:s7+$0xFFFFFFF0] =	vst v19;
	v19 =	vadd.s32 v4, v30;
	v16 =	vld.idx.msk [tilespmem:v29+s21+$0x0], $0xffff;
	v29 =	vadd.s32 s12, v11  }
0xbc: {  	v30 =	vadd.s32 s9, v11;
	v31 =	vld.idx.msk [tilespmem:v35+s21+$0x0], $0xffff;
	v11 =	vadd.s32 s18, v11;
	v29 =	vadd.s32 v4, v29  }
0xbd: {  	[tilespmem:s7+$0x70] =	vst v20;
	v43 =	vld.idx.msk [tilespmem:v36+s21+$0x0], $0xffff;
	v11 =	vadd.s32 v4, v11;
	v20 =	vadd.f32 v22, v24  }
0xbe: {  	[tilespmem:s7+$0xFFFFFF70] =	vst v14;
	v26 =	vld.idx.msk [tilespmem:v26+s21+$0x0], $0xffff;
	v22 =	vadd.s32 v4, v30;
	v30 =	vadd.s32 s20, v10;
	v14 =	vadd.f32 v21, v27  }
0xbf: {  	v13 =	vadd.f32 v13, v23;
	v21 =	vadd.s32 v5, v30;
	v25 =	vld.idx.msk [tilespmem:v25+s21+$0x0], $0xffff;
	v30 =	vadd.s32 s16, v10;
	[tilespmem:s30+$0xB0] =	vst v20  }
0xc0: {  	v16 =	vadd.f32 v16, v28;
	v20 =	vadd.s32 v5, v30;
	[tilespmem:s30+$0xFFFFFFB0] =	vst v14  }
0xc1: {  	v30 =	vadd.s32 s17, v10;
	v14 =	vadd.f32 v31, v12;
	[tilespmem:s30+$0xFFFFFF30] =	vst v13;
	v13 =	vadd.s32 s12, v10;
	v29 =	vld.idx.msk [tilespmem:v29+s21+$0x0], $0xffff  }
0xc2: {  	v31 =	vadd.s32 s15, v10;
	v30 =	vadd.s32 v5, v30;
	v13 =	vadd.s32 v5, v13;
	v11 =	vld.idx.msk [tilespmem:v11+s21+$0x0], $0xffff  }
0xc3: {  	[tilespmem:s30+$0x30] =	vst v16;
	v16 =	vld.idx.msk [tilespmem:v19+s21+$0x0], $0xffff;
	v19 =	vadd.s32 v5, v31;
	v26 =	vadd.f32 v26, v18  }
0xc4: {  	[tilespmem:s6+$0xC0] =	vst v14;
	v14 =	vadd.f32 v43, v17;
	v31 =	vadd.s32 s8, v10;
	v22 =	vld.idx.msk [tilespmem:v22+s21+$0x0], $0xffff;
	v25 =	vadd.f32 v25, v15  }
0xc5: {  	v21 =	vld.idx.msk [tilespmem:v21+s21+$0x0], $0xffff;
	[tilespmem:s6+$0xFFFFFFC0] =	vst v26;
	v26 =	vadd.s32 v5, v31;
	v31 =	vadd.s32 s9, v10;
	v10 =	vadd.s32 s18, v10  }
0xc6: {  	[tilespmem:s6+$0x40] =	vst v14;
	v20 =	vld.idx.msk [tilespmem:v20+s21+$0x0], $0xffff;
	v10 =	vadd.s32 v5, v10;
	v14 =	vadd.f32 v29, v24  }
0xc7: {  	v29 =	vadd.s32 v5, v31;
	v31 =	vadd.s32 s20, v9;
	[tilespmem:s6+$0xFFFFFF40] =	vst v25;
	v25 =	vld.idx.msk [tilespmem:v30+s21+$0x0], $0xffff;
	v11 =	vadd.f32 v11, v23  }
0xc8: {  	v16 =	vadd.f32 v16, v27;
	v30 =	vadd.s32 v6, v31;
	v19 =	vld.idx.msk [tilespmem:v19+s21+$0x0], $0xffff;
	v31 =	vadd.s32 s16, v9;
	[tilespmem:s30+$0xC0] =	vst v14  }
0xc9: {  	v14 =	vadd.f32 v22, v28;
	v22 =	vadd.s32 v6, v31;
	[tilespmem:s30+$0xFFFFFF40] =	vst v11  }
0xca: {  	v31 =	vadd.s32 s17, v9;
	v13 =	vld.idx.msk [tilespmem:v13+s21+$0x0], $0xffff;
	[tilespmem:s30+$0xFFFFFFC0] =	vst v16;
	v16 =	vadd.f32 v21, v12;
	v21 =	vadd.s32 s15, v9  }
0xcb: {  	v31 =	vadd.s32 v6, v31;
	v26 =	vld.idx.msk [tilespmem:v26+s21+$0x0], $0xffff;
	[tilespmem:s30+$0x40] =	vst v14;
	v14 =	vadd.s32 v6, v21  }
0xcc: {  	v20 =	vadd.f32 v20, v18;
	v21 =	vadd.s32 s12, v9;
	v10 =	vld.idx.msk [tilespmem:v10+s21+$0x0], $0xffff;
	[tilespmem:s6+$0xD0] =	vst v16;
	v16 =	vadd.f32 v25, v17  }
0xcd: {  	v11 =	vld.idx.msk [tilespmem:v29+s21+$0x0], $0xffff;
	v21 =	vadd.s32 v6, v21;
	v25 =	vadd.s32 s8, v9;
	v19 =	vadd.f32 v19, v15  }
0xce: {  	v29 =	vld.idx.msk [tilespmem:v30+s21+$0x0], $0xffff;
	[tilespmem:s6+$0xFFFFFFD0] =	vst v20;
	v20 =	vadd.s32 v6, v25;
	v25 =	vadd.s32 s9, v9;
	v9 =	vadd.s32 s18, v9  }
0xcf: {  	v22 =	vld.idx.msk [tilespmem:v22+s21+$0x0], $0xffff;
	[tilespmem:s6+$0x50] =	vst v16;
	v9 =	vadd.s32 v6, v9;
	v13 =	vadd.f32 v13, v24  }
0xd0: {  	v16 =	vadd.s32 v6, v25;
	v25 =	vadd.s32 s20, v8;
	[tilespmem:s6+$0xFFFFFF50] =	vst v19;
	v19 =	vld.idx.msk [tilespmem:v31+s21+$0x0], $0xffff;
	v26 =	vadd.f32 v26, v27  }
0xd1: {  	v30 =	vadd.s32 s16, v8;
	v25 =	vadd.s32 v7, v25;
	v14 =	vld.idx.msk [tilespmem:v14+s21+$0x0], $0xffff;
	v10 =	vadd.f32 v10, v23;
	[tilespmem:s30+$0xD0] =	vst v13  }
0xd2: {  	v11 =	vadd.f32 v11, v28;
	v13 =	vadd.s32 v7, v30;
	v21 =	vld.idx.msk [tilespmem:v21+s21+$0x0], $0xffff;
	[tilespmem:s30+$0xFFFFFFD0] =	vst v26  }
0xd3: {  	v30 =	vadd.s32 s17, v8;
	v26 =	vadd.f32 v29, v12;
	v29 =	vadd.s32 s15, v8;
	[tilespmem:s30+$0xFFFFFF50] =	vst v10;
	v20 =	vld.idx.msk [tilespmem:v20+s21+$0x0], $0xffff  }
0xd4: {  	v30 =	vadd.s32 v7, v30;
	[tilespmem:s30+$0x50] =	vst v11;
	v11 =	vadd.s32 v7, v29;
	v9 =	vld.idx.msk [tilespmem:v9+s21+$0x0], $0xffff  }
0xd5: {  	v22 =	vadd.f32 v22, v18;
	v29 =	vadd.s32 s12, v8;
	v10 =	vld.idx.msk [tilespmem:v16+s21+$0x0], $0xffff;
	v16 =	vadd.f32 v19, v17  }
0xd6: {  	[tilespmem:s6+$0xE0] =	vst v26;
	v19 =	vadd.s32 v7, v29;
	v26 =	vadd.s32 s8, v8;
	v14 =	vadd.f32 v14, v15  }
0xd7: {  	v25 =	vld.idx.msk [tilespmem:v25+s21+$0x0], $0xffff;
	[tilespmem:s6+$0xFFFFFFE0] =	vst v22;
	v22 =	vadd.s32 v7, v26;
	v26 =	vadd.s32 s9, v8;
	v8 =	vadd.s32 s18, v8  }
0xd8: {  	v13 =	vld.idx.msk [tilespmem:v13+s21+$0x0], $0xffff;
	[tilespmem:s6+$0x60] =	vst v16;
	v8 =	vadd.s32 v7, v8;
	v16 =	vadd.f32 v21, v24  }
0xd9: {  	v21 =	vadd.s32 v7, v26;
	[tilespmem:s6+$0xFFFFFF60] =	vst v14;
	v14 =	vld.idx.msk [tilespmem:v30+s21+$0x0], $0xffff;
	v20 =	vadd.f32 v20, v27  }
0xda: {  	v11 =	vld.idx.msk [tilespmem:v11+s21+$0x0], $0xffff;
	v9 =	vadd.f32 v9, v23;
	[tilespmem:s30+$0xE0] =	vst v16  }
0xdb: {  	v10 =	vadd.f32 v10, v28;
	v16 =	vld.idx.msk [tilespmem:v19+s21+$0x0], $0xffff;
	[tilespmem:s30+$0xFFFFFFE0] =	vst v20  }
0xdc: {  	v12 =	vadd.f32 v25, v12;
	[tilespmem:s30+$0xFFFFFF60] =	vst v9;
	v19 =	vld.idx.msk [tilespmem:v22+s21+$0x0], $0xffff  }
0xdd: {  	[tilespmem:s30+$0x60] =	vst v10;
	v10 =	vadd.f32 v13, v18;
	v8 =	vld.idx.msk [tilespmem:v8+s21+$0x0], $0xffff  }
0xde: {  	v9 =	vld.idx.msk [tilespmem:v21+s21+$0x0], $0xffff;
	[tilespmem:s6+$0xF0] =	vst v12;
	v12 =	vadd.f32 v14, v17  }
0xdf: {  	v11 =	vadd.f32 v11, v15;
	[tilespmem:s6+$0xFFFFFFF0] =	vst v10  }
0xe0: {  	[tilespmem:s6+$0x70] =	vst v12;
	v10 =	vadd.f32 v16, v24  }
0xe1: {  	[tilespmem:s6+$0xFFFFFF70] =	vst v11;
	v11 =	vadd.f32 v19, v27  }
0xe2: {  	p1 =	seq.s32 s31, $0x18;
	v8 =	vadd.f32 v8, v23;
	[tilespmem:s30+$0xF0] =	vst v10  }
0xe3: {  	s2 =	sshll.u32 @!p1 s31, $0x8;
	v9 =	vadd.f32 v9, v28;
	[tilespmem:s30+$0xFFFFFFF0] =	vst v11  }
0xe4: {  	s3 =	simm.s32 @!p1 $0x80;
	s15 =	sand.u32 @!p1 $0x3FFFFF00, s2;
	[tilespmem:s30+$0xFFFFFF70] =	vst v8  }
0xe5: {  	s7 =	sadd.s32 s11, s10;
	s2 =	sadd.s32 @!p1 $0x100, s15;
	s6 =	simm.s32 @!p1 $0x11800;
	[tilespmem:s30+$0x70] =	vst v9  }
0xe6: {  	[tilespmem:s6], [sflag:$0x2] =	stream.indirect.gather @!p1 [hbm4b:s5+s3], $0x80, s2, s3, $0xb8;
	[tilespmem:$0x1D800] =	vst v63  }
0xe7: {  	s2 =	sshll.u32 s7, $0x10  }
0xe8: {  	s2 =	sor.u32 s4, s2  }
0xe9: {  	s8 =	rddreg [dreg:$0x1];
	s2 =	sshrl.u32 s2, $0x3  }
0xea: {  	s9 =	simm.s32 $0x19800;
	s2 =	sadd.s32 s8, s2  }
0xeb: {  	[hbm4b:s2+s13] =	stream.strided.scatter [tilespmem:s9], [sflag:$0x4], $0x2000, s14, s13, $0x38;
	[tilespmem:$0x1D800] =	vst v63  }
0xec: {  	_ =	swait.ge [sflag:s25], $0x4000  }
0xed: {  	[sflag:s25] =	ssyncset.done $0x0  }
0xee: {  	s2 =	simm.s32 @!p0 $0x5;
	[sflag:s25] =	ssyncadd.s32 $0xFFFFC000  }
0xef: {  	_ =	swait.ge @!p0 [sflag:s2], $0x2000  }
0xf0: {  	[sflag:s2] =	ssyncset.done @!p0 $0x0  }
0xf1: {  	s10 =	sshll.u32 s1, $0x7;
	[sflag:s2] =	ssyncadd.s32 @!p0 $0xFFFFE000  }
0xf2: {  	v24 =	vld [tilespmem:s10+$0x1C00];
	_ =	sdelay $0x2  }
0xf3: {  	s16 =	sand.u32 $0x380, s10  }
0xf4: {  	v23 =	vmov s16;
	s3 =	simm.s32 $0x0  }
0xf5: {  	s30 =	simm.s32 $0x3;
	v8 =	vadd.s32 s3, v24  }
0xf6: {  	s19 =	simm.s32 $0x2;
	s18 =	simm.s32 $0x30;
	s17 =	sand.u32 $0x1C00, s3;
	v22 =	vld [tilespmem:s10+$0x1C10];
	v10 =	vadd.s32 s30, v24;
	v8 =	vadd.s32 v0, v8  }
0xf7: {  	s20 =	simm.s32 $0x10;
	s7 =	sand.u32 $0x70, s18;
	s6 =	sadd.s32 s17, s0;
	v19 =	vld [tilespmem:s10+$0x1C20];
	v13 =	vadd.s32 s19, v24;
	v11 =	vadd.s32 v0, v10  }
0xf8: {  	s12 =	simm.s32 $0x1;
	s7 =	sadd.s32 s7, s6;
	s8 =	sand.u32 $0x50, s20;
	v14 =	vld [tilespmem:s10+$0x1C30];
	v13 =	vadd.s32 v0, v13  }
0xf9: {  	s8 =	sadd.s32 s8, s6;
	v21 =	vld.idx.msk [tilespmem:v23+s7+$0x0 ss:$0x1], $0xffff;
	v9 =	vadd.s32 s12, v24  }
0xfa: {  	v18 =	vld.idx.msk [tilespmem:v23+s8+$0x0 ss:$0x1], $0xffff;
	v9 =	vadd.s32 v0, v9  }
0xfb: {  	v15 =	vld.idx.msk [tilespmem:v8+s22+$0x0], $0xffff  }
0xfc: {  	s24 =	sand.u32 $0x40, s3;
	v8 =	vld.idx.msk [tilespmem:v11+s22+$0x0], $0xffff  }
0xfd: {  	s26 =	simm.s32 $0x20;
	s9 =	sadd.s32 s24, s6;
	v11 =	vld.idx.msk [tilespmem:v13+s22+$0x0], $0xffff  }
0xfe: {  	s7 =	sand.u32 $0x60, s26;
	v13 =	vld.idx.msk [tilespmem:v23+s9+$0x0 ss:$0x1], $0xffff  }
0xff: {  	s6 =	sadd.s32 s7, s6;
	v16 =	vld.idx.msk [tilespmem:v9+s22+$0x0], $0xffff;
	v9 =	vadd.s32 s30, v22  }
0x100: {  	v20 =	vld.idx.msk [tilespmem:v23+s6+$0x0 ss:$0x1], $0xffff;
	v25 =	vadd.s32 s3, v22;
	v17 =	vadd.s32 v1, v9  }
0x101: {  	v12 =	vld [tilespmem:s10+$0x1C40];
	v26 =	vadd.s32 s12, v22;
	v25 =	vadd.s32 v1, v25  }
0x102: {  	v28 =	vadd.s32 s19, v22;
	v10 =	vld [tilespmem:s10+$0x1C50];
	v26 =	vadd.s32 v1, v26;
	v27 =	vadd.f32 v8, v21  }
0x103: {  	s8 =	simm.s32 $0x1B900;
	v28 =	vadd.s32 v1, v28;
	v9 =	vld [tilespmem:s10+$0x1C60];
	v15 =	vadd.f32 v15, v13  }
0x104: {  	v8 =	vld [tilespmem:s10+$0x1C70];
	v16 =	vadd.f32 v16, v18;
	[tilespmem:s8+$0x80] =	vst v27  }
0x105: {  	v11 =	vadd.f32 v11, v20;
	[tilespmem:s8+$0xFFFFFF00] =	vst v15;
	v17 =	vld.idx.msk [tilespmem:v17+s22+$0x0], $0xffff  }
0x106: {  	[tilespmem:s8+$0xFFFFFF80] =	vst v16;
	v15 =	vld.idx.msk [tilespmem:v25+s22+$0x0], $0xffff  }
0x107: {  	v16 =	vadd.s32 s30, v19;
	[tilespmem:s8+$0x0] =	vst v11;
	v25 =	vld.idx.msk [tilespmem:v26+s22+$0x0], $0xffff  }
0x108: {  	v11 =	vadd.s32 v2, v16;
	v16 =	vld.idx.msk [tilespmem:v28+s22+$0x0], $0xffff;
	v26 =	vadd.s32 s3, v19  }
0x109: {  	v27 =	vadd.s32 s12, v19;
	v26 =	vadd.s32 v2, v26  }
0x10a: {  	v27 =	vadd.s32 v2, v27;
	v17 =	vadd.f32 v17, v21  }
0x10b: {  	s16 =	simm.s32 $0x4;
	v28 =	vadd.s32 s19, v19;
	v15 =	vadd.f32 v15, v13  }
0x10c: {  	s17 =	simm.s32 $0x5;
	v28 =	vadd.s32 v2, v28;
	v25 =	vadd.f32 v25, v18;
	[tilespmem:s8+$0x90] =	vst v17;
	v17 =	vadd.s32 s16, v24  }
0x10d: {  	s18 =	simm.s32 $0x6;
	v29 =	vadd.s32 s17, v24;
	[tilespmem:s8+$0xFFFFFF10] =	vst v15;
	v15 =	vadd.f32 v16, v20;
	v11 =	vld.idx.msk [tilespmem:v11+s22+$0x0], $0xffff;
	v17 =	vadd.s32 v0, v17  }
0x10e: {  	v16 =	vadd.s32 v0, v29;
	[tilespmem:s8+$0xFFFFFF90] =	vst v25;
	v25 =	vadd.s32 s30, v14;
	v29 =	vadd.s32 s18, v24;
	v26 =	vld.idx.msk [tilespmem:v26+s22+$0x0], $0xffff  }
0x10f: {  	v27 =	vld.idx.msk [tilespmem:v27+s22+$0x0], $0xffff;
	[tilespmem:s8+$0x10] =	vst v15;
	v15 =	vadd.s32 v3, v25;
	v25 =	vadd.s32 v0, v29  }
0x110: {  	v29 =	vadd.s32 s3, v14  }
0x111: {  	v30 =	vadd.s32 s12, v14;
	v28 =	vld.idx.msk [tilespmem:v28+s22+$0x0], $0xffff;
	v29 =	vadd.s32 v3, v29  }
0x112: {  	v11 =	vadd.f32 v11, v21;
	v31 =	vld.idx.msk [tilespmem:v17+s22+$0x0], $0xffff;
	v17 =	vadd.s32 v3, v30  }
0x113: {  	s6 =	simm.s32 $0x7;
	v44 =	vld.idx.msk [tilespmem:v16+s22+$0x0], $0xffff;
	v30 =	vadd.s32 s19, v14;
	v16 =	vadd.f32 v26, v13  }
0x114: {  	s28 =	simm.s32 $0x200;
	v26 =	vadd.s32 v3, v30;
	[tilespmem:s8+$0xA0] =	vst v11;
	v11 =	vadd.f32 v27, v18;
	v27 =	vld.idx.msk [tilespmem:v25+s22+$0x0], $0xffff;
	v25 =	vadd.s32 s6, v24  }
0x115: {  	s7 =	sand.u32 $0x1C00, s28;
	s9 =	simm.s32 $0x70;
	[tilespmem:s8+$0xFFFFFF20] =	vst v16;
	v15 =	vld.idx.msk [tilespmem:v15+s22+$0x0], $0xffff;
	v25 =	vadd.s32 v0, v25  }
0x116: {  	s2 =	sadd.s32 s7, s0;
	s7 =	sand.u32 $0x70, s9;
	v16 =	vadd.f32 v28, v20;
	v28 =	vld.idx.msk [tilespmem:v29+s22+$0x0], $0xffff;
	[tilespmem:s8+$0xFFFFFFA0] =	vst v11  }
0x117: {  	s7 =	sadd.s32 s7, s2;
	v11 =	vadd.s32 s30, v12;
	v17 =	vld.idx.msk [tilespmem:v17+s22+$0x0], $0xffff  }
0x118: {  	s29 =	simm.s32 $0x40;
	[tilespmem:s8+$0x20] =	vst v16;
	v16 =	vadd.s32 v4, v11;
	v11 =	vld.idx.msk [tilespmem:v23+s7+$0x0 ss:$0x1], $0xffff  }
0x119: {  	s24 =	simm.s32 $0x50;
	s10 =	sand.u32 $0x40, s29;
	v26 =	vld.idx.msk [tilespmem:v26+s22+$0x0], $0xffff  }
0x11a: {  	v45 =	vadd.s32 s19, v12;
	s9 =	sand.u32 $0x50, s24;
	s20 =	sadd.s32 s10, s2;
	v29 =	vadd.f32 v15, v21;
	v15 =	vadd.s32 s12, v12;
	v25 =	vld.idx.msk [tilespmem:v25+s22+$0x0], $0xffff  }
0x11b: {  	v49 =	vadd.s32 s6, v22;
	v33 =	vadd.s32 v4, v45;
	s9 =	sadd.s32 s9, s2;
	v30 =	vadd.s32 v4, v15;
	v15 =	vld.idx.msk [tilespmem:v23+s20+$0x0 ss:$0x1], $0xffff  }
0x11c: {  	s26 =	simm.s32 $0x60;
	v28 =	vadd.f32 v28, v13;
	[tilespmem:s8+$0xB0] =	vst v29;
	v29 =	vadd.s32 s3, v12;
	v46 =	vadd.f32 v17, v18;
	v17 =	vld.idx.msk [tilespmem:v23+s9+$0x0 ss:$0x1], $0xffff  }
0x11d: {  	v50 =	vadd.s32 v1, v49;
	s7 =	sand.u32 $0x60, s26;
	s20 =	simm.s32 $0x8;
	v47 =	vld.idx.msk [tilespmem:v16+s22+$0x0], $0xffff;
	v29 =	vadd.s32 v4, v29  }
0x11e: {  	s2 =	sadd.s32 s7, s2;
	[tilespmem:s8+$0xFFFFFF30] =	vst v28;
	v28 =	vadd.s32 s17, v22;
	v16 =	vadd.s32 s20, v24;
	v26 =	vadd.f32 v26, v20  }
0x11f: {  	v51 =	vadd.s32 s30, v10;
	v28 =	vadd.s32 v1, v28;
	v48 =	vadd.s32 v0, v16;
	[tilespmem:s8+$0xFFFFFFB0] =	vst v46;
	v16 =	vld.idx.msk [tilespmem:v23+s2+$0x0 ss:$0x1], $0xffff  }
0x120: {  	v37 =	vadd.s32 v5, v51;
	[tilespmem:s8+$0x30] =	vst v26;
	v26 =	vadd.s32 s16, v22;
	v52 =	vadd.f32 v25, v11;
	v30 =	vld.idx.msk [tilespmem:v30+s22+$0x0], $0xffff  }
0x121: {  	s7 =	simm.s32 $0x1BB00;
	v26 =	vadd.s32 v1, v26;
	v33 =	vld.idx.msk [tilespmem:v33+s22+$0x0], $0xffff;
	v32 =	vadd.f32 v44, v17  }
0x122: {  	v53 =	vadd.s32 s18, v22;
	[tilespmem:s7+$0x80] =	vst v52;
	v29 =	vld.idx.msk [tilespmem:v29+s22+$0x0], $0xffff;
	v35 =	vadd.f32 v47, v21  }
0x123: {  	v54 =	vadd.s32 v1, v53;
	v55 =	vadd.s32 s12, v10;
	v31 =	vadd.f32 v31, v15;
	v34 =	vld.idx.msk [tilespmem:v50+s22+$0x0], $0xffff;
	[tilespmem:s7+$0xFFFFFF80] =	vst v32  }
0x124: {  	v56 =	vadd.s32 s19, v10;
	v38 =	vadd.s32 v5, v55;
	[tilespmem:s8+$0xC0] =	vst v35;
	v28 =	vld.idx.msk [tilespmem:v28+s22+$0x0], $0xffff  }
0x125: {  	v57 =	vadd.s32 v5, v56;
	s9 =	simm.s32 $0x9;
	[tilespmem:s7+$0xFFFFFF00] =	vst v31;
	v31 =	vadd.s32 s3, v10;
	v27 =	vadd.f32 v27, v16;
	v37 =	vld.idx.msk [tilespmem:v37+s22+$0x0], $0xffff  }
0x126: {  	v58 =	vadd.s32 s9, v24;
	v59 =	vld.idx.msk [tilespmem:v26+s22+$0x0], $0xffff;
	v26 =	vadd.s32 v5, v31;
	v30 =	vadd.f32 v30, v18  }
0x127: {  	v25 =	vld.idx.msk [tilespmem:v48+s22+$0x0], $0xffff;
	v31 =	vadd.s32 v0, v58;
	[tilespmem:s7+$0x0] =	vst v27;
	v27 =	vadd.s32 s6, v19;
	v60 =	vadd.f32 v33, v20  }
0x128: {  	v44 =	vadd.s32 s17, v19;
	v61 =	vld.idx.msk [tilespmem:v54+s22+$0x0], $0xffff;
	v27 =	vadd.s32 v2, v27;
	v29 =	vadd.f32 v29, v13;
	[tilespmem:s8+$0xFFFFFFC0] =	vst v30  }
0x129: {  	v45 =	vadd.s32 v2, v44;
	v30 =	vadd.s32 s30, v9;
	[tilespmem:s8+$0x40] =	vst v60;
	v34 =	vadd.f32 v34, v11;
	v38 =	vld.idx.msk [tilespmem:v38+s22+$0x0], $0xffff  }
0x12a: {  	v62 =	vadd.s32 s16, v19;
	v30 =	vadd.s32 v6, v30;
	[tilespmem:s8+$0xFFFFFF40] =	vst v29;
	v29 =	vld.idx.msk [tilespmem:v57+s22+$0x0], $0xffff;
	v28 =	vadd.f32 v28, v17  }
0x12b: {  	v63 =	vadd.s32 v2, v62;
	v46 =	vadd.s32 s18, v19;
	[tilespmem:s7+$0x90] =	vst v34;
	v47 =	vld.idx.msk [tilespmem:v26+s22+$0x0], $0xffff;
	v37 =	vadd.f32 v37, v21  }
0x12c: {  	v36 =	vadd.s32 v2, v46;
	v48 =	vadd.s32 s12, v9;
	v26 =	vld.idx.msk [tilespmem:v31+s22+$0x0], $0xffff;
	v31 =	vadd.f32 v59, v15;
	[tilespmem:s7+$0xFFFFFF90] =	vst v28  }
0x12d: {  	v49 =	vadd.s32 s19, v9;
	v34 =	vadd.s32 v6, v48;
	v27 =	vld.idx.msk [tilespmem:v27+s22+$0x0], $0xffff;
	[tilespmem:s8+$0xD0] =	vst v37  }
0x12e: {  	s10 =	simm.s32 $0xA;
	v51 =	vadd.s32 v6, v49;
	v50 =	vadd.s32 s3, v9;
	[tilespmem:s7+$0xFFFFFF10] =	vst v31;
	v31 =	vadd.f32 v61, v16;
	v35 =	vld.idx.msk [tilespmem:v45+s22+$0x0], $0xffff  }
0x12f: {  	v52 =	vadd.s32 s10, v24;
	v28 =	vadd.s32 v6, v50;
	v30 =	vld.idx.msk [tilespmem:v30+s22+$0x0], $0xffff;
	v53 =	vadd.f32 v38, v18  }
0x130: {  	v54 =	vadd.s32 v0, v52;
	v32 =	vld.idx.msk [tilespmem:v63+s22+$0x0], $0xffff;
	[tilespmem:s7+$0x10] =	vst v31;
	v31 =	vadd.s32 s6, v14;
	v29 =	vadd.f32 v29, v20  }
0x131: {  	v55 =	vadd.s32 s30, v8;
	v36 =	vld.idx.msk [tilespmem:v36+s22+$0x0], $0xffff;
	v56 =	vadd.s32 v3, v31;
	v31 =	vadd.f32 v47, v13;
	[tilespmem:s8+$0xFFFFFFD0] =	vst v53  }
0x132: {  	v40 =	vadd.s32 v7, v55;
	v57 =	vadd.s32 s16, v14;
	v58 =	vld.idx.msk [tilespmem:v34+s22+$0x0], $0xffff;
	[tilespmem:s8+$0x50] =	vst v29  }
0x133: {  	v33 =	vadd.s32 v3, v57;
	v29 =	vadd.s32 s17, v14;
	v27 =	vadd.f32 v27, v11;
	[tilespmem:s8+$0xFFFFFF50] =	vst v31;
	v59 =	vld.idx.msk [tilespmem:v51+s22+$0x0], $0xffff  }
0x134: {  	v60 =	vadd.s32 v3, v29;
	v31 =	vadd.s32 s18, v14;
	v37 =	vld.idx.msk [tilespmem:v28+s22+$0x0], $0xffff;
	v28 =	vadd.f32 v30, v21  }
0x135: {  	v29 =	vld.idx.msk [tilespmem:v54+s22+$0x0], $0xffff;
	v30 =	vadd.s32 s12, v8;
	v32 =	vadd.f32 v32, v15;
	v31 =	vadd.s32 v3, v31;
	[tilespmem:s7+$0xA0] =	vst v27  }
0x136: {  	v61 =	vadd.s32 s19, v8;
	v27 =	vadd.f32 v35, v17;
	v30 =	vadd.s32 v7, v30;
	v34 =	vld.idx.msk [tilespmem:v56+s22+$0x0], $0xffff;
	[tilespmem:s8+$0xE0] =	vst v28  }
0x137: {  	v62 =	vadd.s32 s3, v8;
	s12 =	simm.s32 $0xB;
	[tilespmem:s7+$0xFFFFFF20] =	vst v32;
	v28 =	vadd.f32 v36, v16;
	v32 =	vadd.s32 v7, v61;
	v38 =	vld.idx.msk [tilespmem:v40+s22+$0x0], $0xffff  }
0x138: {  	v63 =	vadd.s32 s12, v24;
	[tilespmem:s7+$0xFFFFFFA0] =	vst v27;
	v36 =	vld.idx.msk [tilespmem:v33+s22+$0x0], $0xffff;
	v33 =	vadd.s32 v7, v62;
	v39 =	vadd.f32 v58, v18  }
0x139: {  	s3 =	simm.s32 $0xC;
	v27 =	vadd.s32 v0, v63;
	v35 =	vld.idx.msk [tilespmem:v60+s22+$0x0], $0xffff;
	[tilespmem:s7+$0x20] =	vst v28;
	v40 =	vadd.f32 v59, v20  }
.LBB2_5:
0x13a: {  	p0 =	slt.u32 s3, $0x3C;
	v28 =	vld.idx.msk [tilespmem:v31+s22+$0x0], $0xffff;
	v31 =	vadd.s32 s6, v12;
	v37 =	vadd.f32 v37, v13;
	[tilespmem:s8+$0xFFFFFFE0] =	vst v39  }
0x13b: {  	s29 =	sadd.s32 $0x40, s29;
	s28 =	sadd.s32 $0x200, s28;
	v31 =	vadd.s32 v4, v31;
	v30 =	vld.idx.msk [tilespmem:v30+s22+$0x0], $0xffff;
	[tilespmem:s8+$0x60] =	vst v40  }
0x13c: {  	s2 =	sand.u32 $0x1C00, s28;
	s19 =	sadd.s32 $0x10, s29;
	s24 =	sadd.s32 $0x30, s29;
	v34 =	vadd.f32 v34, v11;
	[tilespmem:s8+$0xFFFFFF60] =	vst v37;
	v32 =	vld.idx.msk [tilespmem:v32+s22+$0x0], $0xffff  }
0x13d: {  	s26 =	sadd.s32 $0x20, s29;
	s2 =	sadd.s32 s2, s0;
	s24 =	sand.u32 $0x70, s24;
	v37 =	vadd.f32 v38, v21;
	v21 =	vmov v11;
	v33 =	vld.idx.msk [tilespmem:v33+s22+$0x0], $0xffff  }
0x13e: {  	s19 =	sand.u32 $0x50, s19;
	s26 =	sand.u32 $0x60, s26;
	v38 =	vadd.s32 s17, v12;
	s24 =	sadd.s32 s24, s2;
	v36 =	vadd.f32 v36, v15;
	v27 =	vld.idx.msk [tilespmem:v27+s22+$0x0], $0xffff;
	[tilespmem:s7+$0xB0] =	vst v34  }
0x13f: {  	s30 =	sand.u32 $0x40, s29;
	s19 =	sadd.s32 s19, s2;
	s26 =	sadd.s32 s26, s2;
	v34 =	vadd.f32 v35, v17;
	v35 =	vadd.s32 v4, v38;
	v38 =	vadd.s32 s18, v12;
	v11 =	vld.idx.msk [tilespmem:v23+s24+$0x0 ss:$0x1], $0xffff;
	[tilespmem:s8+$0xF0] =	vst v37  }
0x140: {  	s2 =	sadd.s32 s30, s2;
	v28 =	vadd.f32 v28, v16;
	v37 =	vadd.s32 v4, v38;
	[tilespmem:s7+$0xFFFFFF30] =	vst v36;
	v36 =	vadd.s32 s16, v12;
	v31 =	vld.idx.msk [tilespmem:v31+s22+$0x0], $0xffff  }
0x141: {  	v38 =	vadd.s32 s3, v24;
	v41 =	vadd.f32 v30, v18;
	v39 =	vld.idx.msk [tilespmem:v23+s2+$0x0 ss:$0x1], $0xffff;
	v36 =	vadd.s32 v4, v36;
	[tilespmem:s7+$0xFFFFFFB0] =	vst v34  }
0x142: {  	v30 =	vadd.s32 v0, v38;
	v38 =	vadd.s32 s12, v22;
	v20 =	vadd.f32 v32, v20;
	v34 =	vld.idx.msk [tilespmem:v23+s19+$0x0 ss:$0x1], $0xffff;
	[tilespmem:s7+$0x30] =	vst v28  }
0x143: {  	v32 =	vadd.s32 v1, v38;
	v38 =	vadd.s32 s6, v10;
	v33 =	vadd.f32 v33, v13;
	v28 =	vld.idx.msk [tilespmem:v23+s26+$0x0 ss:$0x1], $0xffff;
	[tilespmem:s8+$0xFFFFFFF0] =	vst v41  }
0x144: {  	v40 =	vadd.s32 s20, v22;
	v18 =	vmovc v17;
	v38 =	vadd.s32 v5, v38;
	v13 =	vmov v15;
	v35 =	vld.idx.msk [tilespmem:v35+s22+$0x0], $0xffff;
	[tilespmem:s8+$0x70] =	vst v20  }
0x145: {  	v17 =	vadd.s32 s9, v22;
	v15 =	vadd.s32 v1, v40;
	v27 =	vadd.f32 v27, v11;
	v37 =	vld.idx.msk [tilespmem:v37+s22+$0x0], $0xffff;
	[tilespmem:s8+$0xFFFFFF70] =	vst v33;
	s8 =	smov.u32 s7  }
0x146: {  	v17 =	vadd.s32 v1, v17;
	v33 =	vadd.s32 s10, v22;
	v31 =	vadd.f32 v31, v21;
	s7 =	sadd.s32 $0x200, s7;
	v20 =	vmovc v16;
	v36 =	vld.idx.msk [tilespmem:v36+s22+$0x0], $0xffff  }
0x147: {  	v16 =	vadd.f32 v25, v39;
	v25 =	vld.idx.msk [tilespmem:v30+s22+$0x0], $0xffff;
	v30 =	vadd.s32 v1, v33;
	[tilespmem:s7+$0x80] =	vst v27;
	v27 =	vadd.s32 s17, v10  }
0x148: {  	v26 =	vadd.f32 v26, v34;
	v33 =	vadd.s32 s18, v10;
	v32 =	vld.idx.msk [tilespmem:v32+s22+$0x0], $0xffff;
	v27 =	vadd.s32 v5, v27;
	[tilespmem:s8+$0xC0] =	vst v31  }
0x149: {  	s19 =	sadd.s32 $0x1, s3;
	v31 =	vadd.s32 v5, v33;
	[tilespmem:s7+$0xFFFFFF00] =	vst v16;
	v16 =	vadd.f32 v29, v28;
	v29 =	vadd.s32 s16, v10;
	v33 =	vld.idx.msk [tilespmem:v38+s22+$0x0], $0xffff  }
0x14a: {  	v38 =	vadd.s32 s19, v24;
	v44 =	vadd.f32 v35, v18;
	v40 =	vld.idx.msk [tilespmem:v15+s22+$0x0], $0xffff;
	[tilespmem:s7+$0xFFFFFF80] =	vst v26;
	v26 =	vadd.s32 v5, v29  }
0x14b: {  	v29 =	vadd.s32 v0, v38;
	v42 =	vadd.f32 v37, v20;
	v35 =	vld.idx.msk [tilespmem:v17+s22+$0x0], $0xffff;
	[tilespmem:s7+$0x0] =	vst v16;
	v16 =	vadd.s32 s12, v19  }
0x14c: {  	v41 =	vadd.s32 s6, v9;
	v43 =	vadd.f32 v36, v13;
	v30 =	vld.idx.msk [tilespmem:v30+s22+$0x0], $0xffff;
	v37 =	vadd.s32 v2, v16;
	[tilespmem:s8+$0xFFFFFFC0] =	vst v44  }
0x14d: {  	v38 =	vadd.s32 v6, v41;
	v15 =	vmovc v39;
	v36 =	vadd.s32 s20, v19;
	v17 =	vmov v34;
	v27 =	vld.idx.msk [tilespmem:v27+s22+$0x0], $0xffff;
	[tilespmem:s8+$0x40] =	vst v42  }
0x14e: {  	v34 =	vadd.s32 v2, v36;
	v36 =	vadd.s32 s9, v19;
	v32 =	vadd.f32 v32, v11;
	[tilespmem:s8+$0xFFFFFF40] =	vst v43;
	v31 =	vld.idx.msk [tilespmem:v31+s22+$0x0], $0xffff  }
0x14f: {  	v39 =	vadd.s32 s10, v19;
	v36 =	vadd.s32 v2, v36;
	v33 =	vadd.f32 v33, v21;
	v16 =	vmovc v28;
	v41 =	vld.idx.msk [tilespmem:v26+s22+$0x0], $0xffff  }
0x150: {  	v28 =	vadd.f32 v40, v15;
	v26 =	vld.idx.msk [tilespmem:v29+s22+$0x0], $0xffff;
	v29 =	vadd.s32 v2, v39;
	[tilespmem:s7+$0x90] =	vst v32;
	v32 =	vadd.s32 s17, v9  }
0x151: {  	v35 =	vadd.f32 v35, v17;
	v39 =	vadd.s32 s18, v9;
	v37 =	vld.idx.msk [tilespmem:v37+s22+$0x0], $0xffff;
	v32 =	vadd.s32 v6, v32;
	[tilespmem:s8+$0xD0] =	vst v33  }
0x152: {  	s2 =	sadd.s32 $0x2, s3;
	v33 =	vadd.s32 v6, v39;
	[tilespmem:s7+$0xFFFFFF10] =	vst v28;
	v28 =	vadd.f32 v30, v16;
	v30 =	vadd.s32 s16, v9;
	v38 =	vld.idx.msk [tilespmem:v38+s22+$0x0], $0xffff  }
0x153: {  	v39 =	vadd.s32 s2, v24;
	v27 =	vadd.f32 v27, v18;
	v34 =	vld.idx.msk [tilespmem:v34+s22+$0x0], $0xffff;
	[tilespmem:s7+$0xFFFFFF90] =	vst v35;
	v30 =	vadd.s32 v6, v30  }
0x154: {  	v35 =	vadd.s32 v0, v39;
	v31 =	vadd.f32 v31, v20;
	v36 =	vld.idx.msk [tilespmem:v36+s22+$0x0], $0xffff;
	[tilespmem:s7+$0x10] =	vst v28;
	v28 =	vadd.s32 s12, v14  }
0x155: {  	v39 =	vld.idx.msk [tilespmem:v29+s22+$0x0], $0xffff;
	v28 =	vadd.s32 v3, v28;
	v29 =	vadd.f32 v41, v13;
	[tilespmem:s8+$0xFFFFFFD0] =	vst v27;
	v27 =	vadd.s32 s6, v8;
	s6 =	smov.u32 s12  }
0x156: {  	v40 =	vadd.s32 s20, v14;
	v41 =	vld.idx.msk [tilespmem:v32+s22+$0x0], $0xffff;
	[tilespmem:s8+$0x50] =	vst v31;
	v27 =	vadd.s32 v7, v27  }
0x157: {  	v40 =	vadd.s32 v3, v40;
	v31 =	vadd.s32 s9, v14;
	v32 =	vadd.f32 v37, v11;
	[tilespmem:s8+$0xFFFFFF50] =	vst v29;
	v42 =	vld.idx.msk [tilespmem:v33+s22+$0x0], $0xffff  }
0x158: {  	v43 =	vadd.s32 v3, v31;
	v31 =	vadd.s32 s10, v14;
	v33 =	vadd.f32 v38, v21;
	v37 =	vld.idx.msk [tilespmem:v30+s22+$0x0], $0xffff  }
.Ltmp1:
0x159: {  	v31 =	vadd.s32 v3, v31;
	v30 =	vadd.s32 s17, v8;
	s17 =	smov.u32 s9;
	s9 =	smov.u32 s19;
	v29 =	vld.idx.msk [tilespmem:v35+s22+$0x0], $0xffff;
	v35 =	vadd.f32 v34, v15;
	[tilespmem:s7+$0xA0] =	vst v32;
	(pc) =	sbr.rel @p0 .LBB2_5-.Ltmp1, $4  }
0x15a: {  	v44 =	vadd.f32 v36, v17;
	v30 =	vadd.s32 v7, v30;
	v34 =	vld.idx.msk [tilespmem:v28+s22+$0x0], $0xffff;
	v28 =	vadd.s32 s18, v8;
	[tilespmem:s8+$0xE0] =	vst v33;
	s18 =	smov.u32 s10;
	s10 =	smov.u32 s2  }
0x15b: {  	s12 =	sadd.s32 $0x3, s3;
	v45 =	vadd.f32 v39, v16;
	v33 =	vadd.s32 s16, v8;
	s16 =	smov.u32 s20;
	s20 =	smov.u32 s3;
	[tilespmem:s7+$0xFFFFFF20] =	vst v35;
	v32 =	vadd.s32 v7, v28;
	v38 =	vld.idx.msk [tilespmem:v27+s22+$0x0], $0xffff  }
0x15c: {  	v27 =	vadd.s32 s12, v24;
	v33 =	vadd.s32 v7, v33;
	v39 =	vadd.f32 v41, v18;
	v36 =	vld.idx.msk [tilespmem:v40+s22+$0x0], $0xffff;
	[tilespmem:s7+$0xFFFFFFA0] =	vst v44  }
0x15d: {  	s3 =	sadd.s32 $0x4, s3;
	v27 =	vadd.s32 v0, v27;
	v40 =	vadd.f32 v42, v20;
	v35 =	vld.idx.msk [tilespmem:v43+s22+$0x0], $0xffff;
	[tilespmem:s7+$0x20] =	vst v45  }
0x15e: {  	_ = 	snop  }
0x15f: {  	s2 =	sadd.s32 $0x40, s29;
	s3 =	sadd.s32 $0x200, s28  }
0x160: {  	s3 =	sand.u32 $0x1C00, s3;
	s19 =	sadd.s32 $0x30, s2  }
0x161: {  	s24 =	sadd.s32 $0x10, s2;
	s0 =	sadd.s32 s3, s0;
	s29 =	sand.u32 $0x70, s19  }
0x162: {  	v41 =	vld.idx.msk [tilespmem:v27+s22+$0x0], $0xffff;
	s30 =	sadd.s32 $0x20, s2;
	s24 =	sand.u32 $0x50, s24;
	s3 =	sadd.s32 s29, s0  }
0x163: {  	s19 =	sand.u32 $0x60, s30;
	s24 =	sadd.s32 s24, s0;
	v24 =	vld.idx.msk [tilespmem:v23+s3+$0x0 ss:$0x1], $0xffff  }
0x164: {  	s2 =	sand.u32 $0x40, s2;
	s19 =	sadd.s32 s19, s0;
	v27 =	vld.idx.msk [tilespmem:v23+s24+$0x0 ss:$0x1], $0xffff  }
0x165: {  	v42 =	vadd.s32 s12, v22;
	s0 =	sadd.s32 s2, s0;
	v28 =	vld.idx.msk [tilespmem:v23+s19+$0x0 ss:$0x1], $0xffff  }
0x166: {  	v43 =	vadd.s32 s9, v22;
	v42 =	vadd.s32 v1, v42;
	v23 =	vld.idx.msk [tilespmem:v23+s0+$0x0 ss:$0x1], $0xffff  }
0x167: {  	v44 =	vadd.s32 s10, v22;
	v43 =	vadd.s32 v1, v43  }
0x168: {  	v50 =	vadd.s32 s20, v22;
	v44 =	vadd.s32 v1, v44;
	v41 =	vadd.f32 v41, v24  }
0x169: {  	s26 =	sadd.s32 $0x200, s7;
	v22 =	vadd.s32 v1, v50;
	v26 =	vadd.f32 v26, v27  }
0x16a: {  	v29 =	vadd.f32 v29, v28;
	[tilespmem:s26+$0x80] =	vst v41  }
0x16b: {  	v25 =	vadd.f32 v25, v23;
	[tilespmem:s26+$0xFFFFFF80] =	vst v26;
	v51 =	vld.idx.msk [tilespmem:v42+s22+$0x0], $0xffff  }
0x16c: {  	[tilespmem:s26+$0x0] =	vst v29;
	v52 =	vld.idx.msk [tilespmem:v43+s22+$0x0], $0xffff  }
0x16d: {  	v53 =	vadd.s32 s12, v19;
	[tilespmem:s26+$0xFFFFFF00] =	vst v25;
	v29 =	vld.idx.msk [tilespmem:v44+s22+$0x0], $0xffff  }
0x16e: {  	v54 =	vadd.s32 s9, v19;
	v25 =	vadd.s32 v2, v53;
	v22 =	vld.idx.msk [tilespmem:v22+s22+$0x0], $0xffff  }
0x16f: {  	v37 =	vadd.f32 v37, v13;
	[tilespmem:s8+$0xFFFFFFE0] =	vst v39;
	v56 =	vadd.s32 s10, v19;
	v55 =	vadd.s32 v2, v54  }
0x170: {  	v57 =	vadd.s32 s20, v19;
	[tilespmem:s8+$0x60] =	vst v40;
	v58 =	vadd.s32 v2, v56;
	v26 =	vadd.f32 v51, v24  }
0x171: {  	v19 =	vadd.s32 v2, v57;
	[tilespmem:s8+$0xFFFFFF60] =	vst v37;
	v59 =	vadd.f32 v52, v27  }
0x172: {  	v60 =	vadd.f32 v29, v28;
	[tilespmem:s26+$0x90] =	vst v26  }
0x173: {  	v22 =	vadd.f32 v22, v23;
	[tilespmem:s26+$0xFFFFFF90] =	vst v59;
	v25 =	vld.idx.msk [tilespmem:v25+s22+$0x0], $0xffff  }
0x174: {  	v61 =	vadd.f32 v34, v11;
	[tilespmem:s26+$0x10] =	vst v60;
	v62 =	vld.idx.msk [tilespmem:v55+s22+$0x0], $0xffff  }
0x175: {  	v63 =	vadd.s32 s12, v14;
	v21 =	vadd.f32 v38, v21;
	[tilespmem:s26+$0xFFFFFF10] =	vst v22;
	v26 =	vld.idx.msk [tilespmem:v58+s22+$0x0], $0xffff  }
0x176: {  	v40 =	vadd.s32 s9, v14;
	v36 =	vadd.f32 v36, v15;
	[tilespmem:s7+$0xB0] =	vst v61;
	v22 =	vadd.s32 v3, v63;
	v19 =	vld.idx.msk [tilespmem:v19+s22+$0x0], $0xffff  }
0x177: {  	v31 =	vld.idx.msk [tilespmem:v31+s22+$0x0], $0xffff;
	v35 =	vadd.f32 v35, v17;
	[tilespmem:s8+$0xF0] =	vst v21;
	v41 =	vadd.s32 v3, v40;
	v42 =	vadd.s32 s10, v14  }
0x178: {  	v30 =	vld.idx.msk [tilespmem:v30+s22+$0x0], $0xffff;
	[tilespmem:s7+$0xFFFFFF30] =	vst v36;
	v43 =	vadd.s32 s20, v14;
	v29 =	vadd.s32 v3, v42;
	v25 =	vadd.f32 v25, v24  }
0x179: {  	v49 =	vadd.s32 s18, v12;
	v32 =	vld.idx.msk [tilespmem:v32+s22+$0x0], $0xffff;
	[tilespmem:s7+$0xFFFFFFB0] =	vst v35;
	v14 =	vadd.s32 v3, v43;
	v34 =	vadd.f32 v62, v27  }
0x17a: {  	v33 =	vld.idx.msk [tilespmem:v33+s22+$0x0], $0xffff;
	v36 =	vadd.s32 v4, v49;
	v44 =	vadd.s32 s6, v12;
	v47 =	vadd.f32 v26, v28;
	[tilespmem:s26+$0xA0] =	vst v25  }
0x17b: {  	v46 =	vadd.s32 s17, v12;
	v45 =	vadd.s32 v4, v44;
	v19 =	vadd.f32 v19, v23;
	[tilespmem:s26+$0xFFFFFFA0] =	vst v34;
	v22 =	vld.idx.msk [tilespmem:v22+s22+$0x0], $0xffff  }
0x17c: {  	v48 =	vadd.s32 v4, v46;
	v50 =	vadd.s32 s16, v12;
	v31 =	vadd.f32 v31, v16;
	[tilespmem:s26+$0x20] =	vst v47;
	v21 =	vld.idx.msk [tilespmem:v41+s22+$0x0], $0xffff  }
0x17d: {  	v18 =	vadd.f32 v30, v18;
	v53 =	vadd.s32 s12, v12;
	v51 =	vadd.s32 v4, v50;
	[tilespmem:s26+$0xFFFFFF20] =	vst v19;
	v52 =	vld.idx.msk [tilespmem:v29+s22+$0x0], $0xffff  }
0x17e: {  	v54 =	vadd.s32 s9, v12;
	[tilespmem:s7+$0x30] =	vst v31;
	v20 =	vadd.f32 v32, v20;
	v14 =	vld.idx.msk [tilespmem:v14+s22+$0x0], $0xffff;
	v29 =	vadd.s32 v4, v53  }
0x17f: {  	v57 =	vadd.s32 v4, v54;
	v56 =	vadd.f32 v33, v13;
	[tilespmem:s8+$0xFFFFFFF0] =	vst v18;
	v63 =	vld.idx.msk [tilespmem:v36+s22+$0x0], $0xffff;
	v58 =	vadd.s32 s10, v12  }
0x180: {  	[tilespmem:s8+$0x70] =	vst v20;
	v60 =	vadd.s32 s20, v12;
	v55 =	vld.idx.msk [tilespmem:v45+s22+$0x0], $0xffff;
	v61 =	vadd.s32 v4, v58;
	v59 =	vadd.f32 v22, v24  }
0x181: {  	[tilespmem:s8+$0xFFFFFF70] =	vst v56;
	v40 =	vadd.s32 s18, v10;
	v12 =	vadd.s32 v4, v60;
	v26 =	vld.idx.msk [tilespmem:v48+s22+$0x0], $0xffff;
	v36 =	vadd.f32 v21, v27  }
0x182: {  	v30 =	vadd.s32 v5, v40;
	v62 =	vadd.s32 s6, v10;
	v25 =	vld.idx.msk [tilespmem:v51+s22+$0x0], $0xffff;
	v19 =	vadd.f32 v52, v28;
	[tilespmem:s26+$0xB0] =	vst v59  }
0x183: {  	v38 =	vadd.s32 s17, v10;
	v37 =	vadd.s32 v5, v62;
	v14 =	vadd.f32 v14, v23;
	[tilespmem:s26+$0xFFFFFFB0] =	vst v36;
	v29 =	vld.idx.msk [tilespmem:v29+s22+$0x0], $0xffff  }
0x184: {  	v39 =	vadd.s32 v5, v38;
	v42 =	vadd.s32 s16, v10;
	v45 =	vadd.f32 v63, v16;
	[tilespmem:s26+$0x30] =	vst v19;
	v18 =	vld.idx.msk [tilespmem:v57+s22+$0x0], $0xffff  }
0x185: {  	v44 =	vadd.s32 s12, v10;
	v43 =	vadd.s32 v5, v42;
	v41 =	vadd.f32 v55, v11;
	[tilespmem:s26+$0xFFFFFF30] =	vst v14;
	v22 =	vld.idx.msk [tilespmem:v61+s22+$0x0], $0xffff  }
0x186: {  	v46 =	vadd.s32 s9, v10;
	[tilespmem:s7+$0x40] =	vst v45;
	v26 =	vadd.f32 v26, v17;
	v14 =	vadd.s32 v5, v44;
	v12 =	vld.idx.msk [tilespmem:v12+s22+$0x0], $0xffff  }
0x187: {  	v48 =	vadd.s32 s10, v10;
	v47 =	vadd.s32 v5, v46;
	v53 =	vld.idx.msk [tilespmem:v30+s22+$0x0], $0xffff;
	[tilespmem:s7+$0xC0] =	vst v41;
	v25 =	vadd.f32 v25, v15  }
0x188: {  	v50 =	vadd.s32 s20, v10;
	v51 =	vadd.s32 v5, v48;
	[tilespmem:s7+$0xFFFFFFC0] =	vst v26;
	v21 =	vld.idx.msk [tilespmem:v37+s22+$0x0], $0xffff;
	v49 =	vadd.f32 v29, v24  }
0x189: {  	v58 =	vadd.s32 s18, v9;
	v10 =	vadd.s32 v5, v50;
	v20 =	vld.idx.msk [tilespmem:v39+s22+$0x0], $0xffff;
	[tilespmem:s7+$0xFFFFFF40] =	vst v25;
	v18 =	vadd.f32 v18, v27  }
0x18a: {  	v31 =	vadd.s32 v6, v58;
	v52 =	vadd.s32 s6, v9;
	v19 =	vld.idx.msk [tilespmem:v43+s22+$0x0], $0xffff;
	v56 =	vadd.f32 v22, v28;
	[tilespmem:s26+$0xC0] =	vst v49  }
0x18b: {  	v55 =	vadd.s32 s17, v9;
	v54 =	vadd.s32 v6, v52;
	v12 =	vadd.f32 v12, v23;
	[tilespmem:s26+$0xFFFFFFC0] =	vst v18;
	v14 =	vld.idx.msk [tilespmem:v14+s22+$0x0], $0xffff  }
0x18c: {  	v60 =	vadd.s32 s16, v9;
	v32 =	vadd.f32 v53, v16;
	v57 =	vadd.s32 v6, v55;
	[tilespmem:s26+$0x40] =	vst v56;
	v26 =	vld.idx.msk [tilespmem:v47+s22+$0x0], $0xffff  }
0x18d: {  	v62 =	vadd.s32 s12, v9;
	v61 =	vadd.s32 v6, v60;
	v59 =	vadd.f32 v21, v11;
	[tilespmem:s26+$0xFFFFFF40] =	vst v12;
	v63 =	vld.idx.msk [tilespmem:v51+s22+$0x0], $0xffff  }
0x18e: {  	v33 =	vadd.s32 s9, v9;
	[tilespmem:s7+$0x50] =	vst v32;
	v20 =	vadd.f32 v20, v17;
	v21 =	vadd.s32 v6, v62;
	v10 =	vld.idx.msk [tilespmem:v10+s22+$0x0], $0xffff  }
0x18f: {  	v35 =	vadd.s32 v6, v33;
	v36 =	vadd.s32 s10, v9;
	v40 =	vld.idx.msk [tilespmem:v31+s22+$0x0], $0xffff;
	[tilespmem:s7+$0xD0] =	vst v59;
	v19 =	vadd.f32 v19, v15  }
0x190: {  	v37 =	vadd.s32 s20, v9;
	v38 =	vadd.s32 v6, v36;
	[tilespmem:s7+$0xFFFFFFD0] =	vst v20;
	v34 =	vld.idx.msk [tilespmem:v54+s22+$0x0], $0xffff;
	v14 =	vadd.f32 v14, v24  }
0x191: {  	v9 =	vadd.s32 v6, v37;
	v43 =	vadd.s32 s18, v8;
	v22 =	vld.idx.msk [tilespmem:v57+s22+$0x0], $0xffff;
	[tilespmem:s7+$0xFFFFFF50] =	vst v19;
	v26 =	vadd.f32 v26, v27  }
0x192: {  	v39 =	vadd.s32 s6, v8;
	v30 =	vadd.s32 v7, v43;
	v13 =	vld.idx.msk [tilespmem:v61+s22+$0x0], $0xffff;
	v12 =	vadd.f32 v63, v28;
	[tilespmem:s26+$0xD0] =	vst v14  }
0x193: {  	v41 =	vadd.s32 s17, v8;
	v25 =	vadd.s32 v7, v39;
	v10 =	vadd.f32 v10, v23;
	[tilespmem:s26+$0xFFFFFFD0] =	vst v26;
	v21 =	vld.idx.msk [tilespmem:v21+s22+$0x0], $0xffff  }
0x194: {  	v45 =	vadd.s32 s16, v8;
	v42 =	vadd.s32 v7, v41;
	v49 =	vadd.f32 v40, v16;
	[tilespmem:s26+$0x50] =	vst v12;
	v20 =	vld.idx.msk [tilespmem:v35+s22+$0x0], $0xffff  }
0x195: {  	v46 =	vadd.s32 v7, v45;
	v47 =	vadd.s32 s12, v8;
	v44 =	vadd.f32 v34, v11;
	[tilespmem:s26+$0xFFFFFF50] =	vst v10;
	v48 =	vld.idx.msk [tilespmem:v38+s22+$0x0], $0xffff  }
0x196: {  	v51 =	vadd.s32 s9, v8;
	v50 =	vadd.s32 v7, v47;
	[tilespmem:s7+$0x60] =	vst v49;
	v22 =	vadd.f32 v22, v17;
	v9 =	vld.idx.msk [tilespmem:v9+s22+$0x0], $0xffff  }
0x197: {  	v53 =	vadd.s32 s10, v8;
	v52 =	vadd.s32 v7, v51;
	v56 =	vld.idx.msk [tilespmem:v30+s22+$0x0], $0xffff;
	[tilespmem:s7+$0xE0] =	vst v44;
	v13 =	vadd.f32 v13, v15  }
0x198: {  	v55 =	vadd.s32 v7, v53;
	v8 =	vadd.s32 s20, v8;
	[tilespmem:s7+$0xFFFFFFE0] =	vst v22;
	v25 =	vld.idx.msk [tilespmem:v25+s22+$0x0], $0xffff;
	v54 =	vadd.f32 v21, v24  }
0x199: {  	v8 =	vadd.s32 v7, v8;
	[tilespmem:s7+$0xFFFFFF60] =	vst v13;
	v14 =	vld.idx.msk [tilespmem:v42+s22+$0x0], $0xffff;
	v20 =	vadd.f32 v20, v27  }
0x19a: {  	v12 =	vld.idx.msk [tilespmem:v46+s22+$0x0], $0xffff;
	v10 =	vadd.f32 v48, v28;
	[tilespmem:s26+$0xE0] =	vst v54  }
0x19b: {  	v9 =	vadd.f32 v9, v23;
	[tilespmem:s26+$0xFFFFFFE0] =	vst v20;
	v18 =	vld.idx.msk [tilespmem:v50+s22+$0x0], $0xffff  }
0x19c: {  	v61 =	vadd.f32 v56, v16;
	[tilespmem:s26+$0x60] =	vst v10;
	v58 =	vld.idx.msk [tilespmem:v52+s22+$0x0], $0xffff  }
0x19d: {  	v57 =	vadd.f32 v25, v11;
	[tilespmem:s26+$0xFFFFFF60] =	vst v9;
	v60 =	vld.idx.msk [tilespmem:v55+s22+$0x0], $0xffff  }
0x19e: {  	[tilespmem:s7+$0x70] =	vst v61;
	v59 =	vadd.f32 v14, v17;
	v8 =	vld.idx.msk [tilespmem:v8+s22+$0x0], $0xffff  }
0x19f: {  	[tilespmem:s7+$0xF0] =	vst v57;
	v12 =	vadd.f32 v12, v15  }
0x1a0: {  	[tilespmem:s7+$0xFFFFFFF0] =	vst v59;
	v62 =	vadd.f32 v18, v24  }
0x1a1: {  	[tilespmem:s7+$0xFFFFFF70] =	vst v12;
	v63 =	vadd.f32 v58, v27  }
0x1a2: {  	v9 =	vadd.f32 v60, v28;
	[tilespmem:s26+$0xF0] =	vst v62  }
0x1a3: {  	s31 =	sadd.s32 $0x1, s31;
	v8 =	vadd.f32 v8, v23;
	[tilespmem:s26+$0xFFFFFFF0] =	vst v63  }
0x1a4: {  	s28 =	sadd.s32 s11, s1;
	p0 =	sne.s32 s31, $0x19;
	[tilespmem:s26+$0x70] =	vst v9  }
0x1a5: {  	s2 =	simm.s32 @!p1 $0x80;
	s0 =	sadd.s32 @!p1 $0x180, s15;
	s3 =	simm.s32 @!p1 $0x15800;
	[tilespmem:s26+$0xFFFFFF70] =	vst v8  }
0x1a6: {  	[tilespmem:s3], [sflag:$0x3] =	stream.indirect.gather @!p1 [hbm4b:s5+s2], $0x80, s0, s2, $0xb8;
	[tilespmem:$0x1D800] =	vst v63  }
.Ltmp2:
0x1a7: {  	s0 =	sshll.u32 s28, $0x10;
	(pc) =	sbr.rel @p0 .LBB2_2-.Ltmp2, $4  }
0x1a8: {  	s0 =	sor.u32 s4, s0  }
0x1a9: {  	s29 =	rddreg [dreg:$0x1];
	s0 =	sshrl.u32 s0, $0x3  }
0x1aa: {  	s30 =	simm.s32 $0x1B800;
	s0 =	sadd.s32 s29, s0  }
0x1ab: {  	[hbm4b:s0+s13] =	stream.strided.scatter [tilespmem:s30], [sflag:$0x5], $0x2000, s14, s13, $0x38;
	[tilespmem:$0x1D800] =	vst v63  }
0x1ac: {  	s0 =	simm.s32 $0x4  }
0x1ad: {  	_ =	swait.ge [sflag:s0], $0x2000  }
0x1ae: {  	[sflag:s0] =	ssyncset.done $0x0  }
0x1af: {  	s1 =	simm.s32 $0x5;
	[sflag:s0] =	ssyncadd.s32 $0xFFFFE000  }
0x1b0: {  	_ =	swait.ge [sflag:s1], $0x2000  }
0x1b1: {  	s2 =	rddreg [dreg:$0x9]  }
0x1b2: {  	s31 =	rddreg [dreg:$0x8];
	s2 =	sadd.s32 $0x1, s2  }
0x1b3: {  	p0 =	sne.s32 s2, s31  }
.Ltmp3:
0x1b4: {  	_ = 	snop;
	(pc) =	sbr.rel @p0 .LBB2_1-.Ltmp3, $3  }
0x1b5: {  	_ =	sdelay $0x1  }
0x1b6: {  	[sflag:s1] =	ssyncset.done $0x0  }
0x1b7: {  	[sflag:s1] =	ssyncadd.s32 $0xFFFFE000  }
0x1b8: {  	_ =	sfence.sel $0x180000  }
0x1b9: {  	[bflag:$0x0] =	sbarrier.arrive $0xFFFF  }
0x1ba: {  	_ =	strace $0x90000047  }
0x1bb: {  	s0 =	stileid.u32;
	[bflag:$0x2] =	sbarrier.arrive $0xFFFF  }
0x1bc: {  	p0 =	sne.s32 s0, $0x0;
	s0 =	rddreg [dreg:$0x2]  }
0x1bd: {  	s0 =	sadd.s32 @!p0 $0x100000, s0  }
0x1be: {  	[sflag:s0] =	ssyncadd.tile.s32 @!p0 $0x1;
	_ =	shalt  }
.Lfunc_end2:
_tile_overlayer_lowered:
.L_overlay_start_2:
0x1bf: {  	(tag) =	ssettag $0x2  }
0x1c0: {  	s0 =	rddreg [dreg:$0x0];
	s2 =	stileid.u32  }
0x1c1: {  	s1 =	rddreg [dreg:$0x1];
	p0 =	sne.s32 s2, $0x0  }
0x1c2: {  	s3 =	rddreg [dreg:$0x2];
	[bflag:$0x3] =	sbarrier.arrive $0xFFFF;
	s2 =	simm.s32 @!p0 $0x1C06  }
0x1c3: {  	[timem:s3], [sflag:s2] =	dma.local @!p0 [hbm:s0], s1  }
0x1c4: {  	s0 =	simm.s32 @!p0 $0x6  }
0x1c5: {  	_ =	swait.ge @!p0 [sflag:s0], s1  }
0x1c6: {  	s1 =	ssub.s32 @!p0 $0x0, s1;
	[sflag:s0] =	ssyncset.done @!p0 $0x0  }
0x1c7: {  	[sflag:s0] =	ssyncadd.s32 @!p0 s1  }
0x1c8: {  	[bflag:$0x3] =	sbarrier.arrive $0xFFFF  }
0x1c9: {  	_ =	shalt  }

</sc_bundles>
